<compile_context>
chip_gen: v7x
topology: tpu7x:2x2x1
jax: 0.10.2.dev20260603
libtpu: 0.0.44.dev20260713+nightly
codegen_flags: <defaults>
</compile_context>

<pallas_src>
import functools

import jax
import jax.numpy as jnp
from jax import lax
from jax.experimental import pallas as pl
from jax.experimental.pallas import tpu as pltpu
from jax.experimental.pallas import tpu_sc as plsc

BATCH = 16384
N_ENT = 1000000
D = 64
NC = 2
NS = 16
NW = NC * NS
BPW = BATCH // NW
C = 128
NCH = BPW // C

PACK_W = 16384
PACK_GRID = -(-N_ENT // PACK_W)


def _pack_body(re_ref, im_ref, o_ref):
    x = jnp.concatenate([re_ref[...], im_ref[...]], axis=0)
    o_ref[...] = x.T


_pack_call = pl.pallas_call(
    _pack_body,
    grid=(PACK_GRID,),
    in_specs=[
        pl.BlockSpec((D, PACK_W), lambda i: (0, i)),
        pl.BlockSpec((D, PACK_W), lambda i: (0, i)),
    ],
    out_specs=pl.BlockSpec((PACK_W, 2 * D), lambda i: (i, 0)),
    out_shape=jax.ShapeDtypeStruct((N_ENT, 2 * D), jnp.float32),
    compiler_params=pltpu.CompilerParams(fuse_transposed_lhs_in_matmul=True),
)

_mesh = plsc.VectorSubcoreMesh(core_axis_name="c", subcore_axis_name="s")


@functools.partial(
    pl.kernel,
    mesh=_mesh,
    out_type=jax.ShapeDtypeStruct((BATCH // 8, 128), jnp.float32),
    scratch_types=[
        pltpu.VMEM((NCH, C), jnp.int32),
        pltpu.VMEM((NCH, C), jnp.int32),
        pltpu.VMEM((NCH, C), jnp.int32),
        pltpu.VMEM((C, 2 * D), jnp.float32),
        pltpu.VMEM((C, 2 * D), jnp.float32),
        pltpu.VMEM((C, 2 * D), jnp.float32),
        pltpu.VMEM((C // 8, 128), jnp.float32),
        pltpu.SemaphoreType.DMA,
    ],
)
def _complex_partial_kernel(h_hbm, r_hbm, t_hbm, ent_hbm, rel_hbm, out_hbm,
                            hi_v, ri_v, ti_v, hv, tv, rv, pacc_v, sem):
    cid = lax.axis_index("c")
    sid = lax.axis_index("s")
    wid = sid * NC + cid

    pltpu.sync_copy(h_hbm.at[wid], hi_v)
    pltpu.sync_copy(r_hbm.at[wid], ri_v)
    pltpu.sync_copy(t_hbm.at[wid], ti_v)

    for ch in range(NCH):
        cp1 = pltpu.async_copy(ent_hbm.at[hi_v.at[ch]], hv, sem)
        cp2 = pltpu.async_copy(ent_hbm.at[ti_v.at[ch]], tv, sem)
        cp3 = pltpu.async_copy(rel_hbm.at[ri_v.at[ch]], rv, sem)
        cp1.wait()
        cp2.wait()
        cp3.wait()

        def row_body(row, carry):
            acc = jnp.zeros((16,), jnp.float32)
            for j in range(D // 16):
                lo = pl.ds(j * 16, 16)
                hi = pl.ds(D + j * 16, 16)
                a = hv[row, lo]
                b = hv[row, hi]
                c = tv[row, lo]
                d = tv[row, hi]
                p = rv[row, lo]
                q = rv[row, hi]
                acc = acc + p * (a * c + b * d) + q * (a * d - b * c)
            pacc_v[row // 8, pl.ds((row % 8) * 16, 16)] = acc
            return carry

        lax.fori_loop(0, C, row_body, 0)

        pltpu.sync_copy(pacc_v,
                        out_hbm.at[pl.ds(wid * (BPW // 8) + ch * (C // 8),
                                         C // 8)])


def _reduce_body(x_ref, o_ref):
    x = x_ref[...]
    rows = lax.broadcasted_iota(jnp.int32, (128, 128), 0)
    cols = lax.broadcasted_iota(jnp.int32, (128, 128), 1)
    m = (rows // 16 == cols).astype(jnp.float32)
    o_ref[...] = -jnp.dot(x, m, preferred_element_type=jnp.float32)


_reduce_call = pl.pallas_call(
    _reduce_body,
    out_shape=jax.ShapeDtypeStruct((BATCH // 8, 128), jnp.float32),
)


def kernel(h, r, t, entity_re, entity_im, relation_re, relation_im):
    h3 = h.astype(jnp.int32).reshape(NW, NCH, C)
    r3 = r.astype(jnp.int32).reshape(NW, NCH, C)
    t3 = t.astype(jnp.int32).reshape(NW, NCH, C)
    ent = _pack_call(entity_re.T, entity_im.T)
    rel = jnp.concatenate([relation_re, relation_im], axis=1)
    partial = _complex_partial_kernel(h3, r3, t3, ent, rel)
    return _reduce_call(partial)[:, :8].reshape(BATCH)

# --- scband reference (transcript-rebuilt; emitter-appended) ---
"""Pipeline reference for scband-compl-ex-42777874268795 (READ-ONLY COPY).

The authoritative reference and input builder live on the scoring server;
editing this copy changes nothing except your own understanding.
"""

import jax, jax.numpy as jnp
import numpy as np

N_ENTITIES = 1000000
N_RELATIONS = 1000
EMBED_DIM = 64
BATCH = 16384

def setup_inputs(seed: int = 0) -> dict:
    key = jax.random.key(seed)
    k_h, k_r, k_t, k_er, k_ei, k_rr, k_ri = jax.random.split(key, 7)
    # xavier uniform bound for [num, dim] matrices
    bound_e = float(np.sqrt(6.0 / (N_ENTITIES + EMBED_DIM)))
    bound_r = float(np.sqrt(6.0 / (N_RELATIONS + EMBED_DIM)))
    inputs = {
        "h": jax.random.randint(k_h, (BATCH,), 0, N_ENTITIES, dtype=jnp.int64 if jax.config.jax_enable_x64 else jnp.int32),
        "r": jax.random.randint(k_r, (BATCH,), 0, N_RELATIONS, dtype=jnp.int64 if jax.config.jax_enable_x64 else jnp.int32),
        "t": jax.random.randint(k_t, (BATCH,), 0, N_ENTITIES, dtype=jnp.int64 if jax.config.jax_enable_x64 else jnp.int32),
        "entity_re": jax.random.uniform(k_er, (N_ENTITIES, EMBED_DIM), jnp.float32, -bound_e, bound_e),
        "entity_im": jax.random.uniform(k_ei, (N_ENTITIES, EMBED_DIM), jnp.float32, -bound_e, bound_e),
        "relation_re": jax.random.uniform(k_rr, (N_RELATIONS, EMBED_DIM), jnp.float32, -bound_r, bound_r),
        "relation_im": jax.random.uniform(k_ri, (N_RELATIONS, EMBED_DIM), jnp.float32, -bound_r, bound_r),
    }
    return inputs

def reference(h, r, t, entity_re, entity_im, relation_re, relation_im):
    h_re = jnp.take(entity_re, h, axis=0)
    h_im = jnp.take(entity_im, h, axis=0)
    r_re = jnp.take(relation_re, r, axis=0)
    r_im = jnp.take(relation_im, r, axis=0)
    t_re = jnp.take(entity_re, t, axis=0)
    t_im = jnp.take(entity_im, t, axis=0)
    score = jnp.sum(h_re * r_re * t_re + h_im * r_re * t_im + h_re * r_im * t_im - h_im * r_im * t_re, axis=-1)
    return -score

if __name__ == "__main__":
    import jax
    _d = setup_inputs()
    print(jax.jit(kernel)(*tuple(_d.values())))

</pallas_src>

<mosaic_0001>
#map = affine_map<(d0, d1) -> (0, 0, 0)>
#map1 = affine_map<(d0, d1) -> (0, 0)>
module attributes {stable_mosaic.version = 14 : i64} {
  func.func @_complex_partial_kernel(%arg0: i32, %arg1: i32, %arg2: memref<32x4x128xi32, #tpu.memory_space<hbm>>, %arg3: memref<32x4x128xi32, #tpu.memory_space<hbm>>, %arg4: memref<32x4x128xi32, #tpu.memory_space<hbm>>, %arg5: memref<1000000x128xf32, #tpu.memory_space<hbm>>, %arg6: memref<1000x128xf32, #tpu.memory_space<hbm>>, %arg7: memref<2048x128xf32, #tpu.memory_space<hbm>>, %arg8: memref<4x128xi32, #tpu.memory_space<vmem>>, %arg9: memref<4x128xi32, #tpu.memory_space<vmem>>, %arg10: memref<4x128xi32, #tpu.memory_space<vmem>>, %arg11: memref<128x128xf32, #tpu.memory_space<vmem>>, %arg12: memref<128x128xf32, #tpu.memory_space<vmem>>, %arg13: memref<128x128xf32, #tpu.memory_space<vmem>>, %arg14: memref<16x128xf32, #tpu.memory_space<vmem>>, %arg15: memref<!tpu.dma_semaphore, #tpu.memory_space<semaphore_mem>>) attributes {dimension_semantics = [#tpu.dimension_semantics<core_parallel>, #tpu.dimension_semantics<subcore_parallel>], iteration_bounds = array<i64: 2, 16>, scalar_prefetch = 0 : i64, scratch_operands = 8 : i64, tpu.core_type = #tpu.core_type<sc_vector_subcore>, window_params = [{transform_indices = #map}, {transform_indices = #map}, {transform_indices = #map}, {transform_indices = #map1}, {transform_indices = #map1}, {transform_indices = #map1}]} {
    %mul3A = arith.constant 2 : i32
    %mul3A_0 = arith.muli %arg1, %mul3A : i32
    %add3A = arith.addi %mul3A_0, %arg0 : i32
    "tpu.region"() ({
      %run_scoped3A = tpu.sem_alloc : memref<!tpu.dma_semaphore, #tpu.memory_space<semaphore_mem>>
      %dma_start3A_206 = arith.constant 0 : i32
      %dma_start3A_207 = arith.constant 0 : i32
      %dma_start3A_208 = tpu.memref_slice %arg2[%add3A, %dma_start3A_206, %dma_start3A_207] : memref<32x4x128xi32, #tpu.memory_space<hbm>> -> memref<1x4x128xi32, #tpu.memory_space<hbm>>
      %dma_start3A_209 = tpu.memref_squeeze %dma_start3A_208 : memref<1x4x128xi32, #tpu.memory_space<hbm>> -> memref<4x128xi32, #tpu.memory_space<hbm>>
      %dma_start3A_210 = arith.constant 0 : i32
      %dma_start3A_211 = arith.constant 0 : i32
      %dma_start3A_212 = tpu.memref_slice %arg2[%add3A, %dma_start3A_210, %dma_start3A_211] : memref<32x4x128xi32, #tpu.memory_space<hbm>> -> memref<1x4x128xi32, #tpu.memory_space<hbm>>
      %dma_start3A_213 = tpu.memref_squeeze %dma_start3A_212 : memref<1x4x128xi32, #tpu.memory_space<hbm>> -> memref<4x128xi32, #tpu.memory_space<hbm>>
      tpu.enqueue_dma source(%dma_start3A_213 : memref<4x128xi32, #tpu.memory_space<hbm>>) target(%arg8 : memref<4x128xi32, #tpu.memory_space<vmem>>) target_semaphore(%run_scoped3A : memref<!tpu.dma_semaphore, #tpu.memory_space<semaphore_mem>>)
      %dma_wait3A_214 = arith.constant 0 : i32
      %dma_wait3A_215 = arith.constant 0 : i32
      %dma_wait3A_216 = tpu.memref_slice %arg2[%add3A, %dma_wait3A_214, %dma_wait3A_215] : memref<32x4x128xi32, #tpu.memory_space<hbm>> -> memref<1x4x128xi32, #tpu.memory_space<hbm>>
      %dma_wait3A_217 = tpu.memref_squeeze %dma_wait3A_216 : memref<1x4x128xi32, #tpu.memory_space<hbm>> -> memref<4x128xi32, #tpu.memory_space<hbm>>
      %dma_wait3A_218 = arith.constant 0 : i32
      %dma_wait3A_219 = arith.constant 0 : i32
      %dma_wait3A_220 = tpu.memref_slice %arg2[%add3A, %dma_wait3A_218, %dma_wait3A_219] : memref<32x4x128xi32, #tpu.memory_space<hbm>> -> memref<1x4x128xi32, #tpu.memory_space<hbm>>
      %dma_wait3A_221 = tpu.memref_squeeze %dma_wait3A_220 : memref<1x4x128xi32, #tpu.memory_space<hbm>> -> memref<4x128xi32, #tpu.memory_space<hbm>>
      tpu.wait_dma2 semaphore(%run_scoped3A : memref<!tpu.dma_semaphore, #tpu.memory_space<semaphore_mem>>) src(%dma_wait3A_221 : memref<4x128xi32, #tpu.memory_space<hbm>>) dst(%arg8 : memref<4x128xi32, #tpu.memory_space<vmem>>)
      tpu.yield
    }) : () -> ()
    "tpu.region"() ({
      %run_scoped3A = tpu.sem_alloc : memref<!tpu.dma_semaphore, #tpu.memory_space<semaphore_mem>>
      %dma_start3A_206 = arith.constant 0 : i32
      %dma_start3A_207 = arith.constant 0 : i32
      %dma_start3A_208 = tpu.memref_slice %arg3[%add3A, %dma_start3A_206, %dma_start3A_207] : memref<32x4x128xi32, #tpu.memory_space<hbm>> -> memref<1x4x128xi32, #tpu.memory_space<hbm>>
      %dma_start3A_209 = tpu.memref_squeeze %dma_start3A_208 : memref<1x4x128xi32, #tpu.memory_space<hbm>> -> memref<4x128xi32, #tpu.memory_space<hbm>>
      %dma_start3A_210 = arith.constant 0 : i32
      %dma_start3A_211 = arith.constant 0 : i32
      %dma_start3A_212 = tpu.memref_slice %arg3[%add3A, %dma_start3A_210, %dma_start3A_211] : memref<32x4x128xi32, #tpu.memory_space<hbm>> -> memref<1x4x128xi32, #tpu.memory_space<hbm>>
      %dma_start3A_213 = tpu.memref_squeeze %dma_start3A_212 : memref<1x4x128xi32, #tpu.memory_space<hbm>> -> memref<4x128xi32, #tpu.memory_space<hbm>>
      tpu.enqueue_dma source(%dma_start3A_213 : memref<4x128xi32, #tpu.memory_space<hbm>>) target(%arg9 : memref<4x128xi32, #tpu.memory_space<vmem>>) target_semaphore(%run_scoped3A : memref<!tpu.dma_semaphore, #tpu.memory_space<semaphore_mem>>)
      %dma_wait3A_214 = arith.constant 0 : i32
      %dma_wait3A_215 = arith.constant 0 : i32
      %dma_wait3A_216 = tpu.memref_slice %arg3[%add3A, %dma_wait3A_214, %dma_wait3A_215] : memref<32x4x128xi32, #tpu.memory_space<hbm>> -> memref<1x4x128xi32, #tpu.memory_space<hbm>>
      %dma_wait3A_217 = tpu.memref_squeeze %dma_wait3A_216 : memref<1x4x128xi32, #tpu.memory_space<hbm>> -> memref<4x128xi32, #tpu.memory_space<hbm>>
      %dma_wait3A_218 = arith.constant 0 : i32
      %dma_wait3A_219 = arith.constant 0 : i32
      %dma_wait3A_220 = tpu.memref_slice %arg3[%add3A, %dma_wait3A_218, %dma_wait3A_219] : memref<32x4x128xi32, #tpu.memory_space<hbm>> -> memref<1x4x128xi32, #tpu.memory_space<hbm>>
      %dma_wait3A_221 = tpu.memref_squeeze %dma_wait3A_220 : memref<1x4x128xi32, #tpu.memory_space<hbm>> -> memref<4x128xi32, #tpu.memory_space<hbm>>
      tpu.wait_dma2 semaphore(%run_scoped3A : memref<!tpu.dma_semaphore, #tpu.memory_space<semaphore_mem>>) src(%dma_wait3A_221 : memref<4x128xi32, #tpu.memory_space<hbm>>) dst(%arg9 : memref<4x128xi32, #tpu.memory_space<vmem>>)
      tpu.yield
    }) : () -> ()
    "tpu.region"() ({
      %run_scoped3A = tpu.sem_alloc : memref<!tpu.dma_semaphore, #tpu.memory_space<semaphore_mem>>
      %dma_start3A_206 = arith.constant 0 : i32
      %dma_start3A_207 = arith.constant 0 : i32
      %dma_start3A_208 = tpu.memref_slice %arg4[%add3A, %dma_start3A_206, %dma_start3A_207] : memref<32x4x128xi32, #tpu.memory_space<hbm>> -> memref<1x4x128xi32, #tpu.memory_space<hbm>>
      %dma_start3A_209 = tpu.memref_squeeze %dma_start3A_208 : memref<1x4x128xi32, #tpu.memory_space<hbm>> -> memref<4x128xi32, #tpu.memory_space<hbm>>
      %dma_start3A_210 = arith.constant 0 : i32
      %dma_start3A_211 = arith.constant 0 : i32
      %dma_start3A_212 = tpu.memref_slice %arg4[%add3A, %dma_start3A_210, %dma_start3A_211] : memref<32x4x128xi32, #tpu.memory_space<hbm>> -> memref<1x4x128xi32, #tpu.memory_space<hbm>>
      %dma_start3A_213 = tpu.memref_squeeze %dma_start3A_212 : memref<1x4x128xi32, #tpu.memory_space<hbm>> -> memref<4x128xi32, #tpu.memory_space<hbm>>
      tpu.enqueue_dma source(%dma_start3A_213 : memref<4x128xi32, #tpu.memory_space<hbm>>) target(%arg10 : memref<4x128xi32, #tpu.memory_space<vmem>>) target_semaphore(%run_scoped3A : memref<!tpu.dma_semaphore, #tpu.memory_space<semaphore_mem>>)
      %dma_wait3A_214 = arith.constant 0 : i32
      %dma_wait3A_215 = arith.constant 0 : i32
      %dma_wait3A_216 = tpu.memref_slice %arg4[%add3A, %dma_wait3A_214, %dma_wait3A_215] : memref<32x4x128xi32, #tpu.memory_space<hbm>> -> memref<1x4x128xi32, #tpu.memory_space<hbm>>
      %dma_wait3A_217 = tpu.memref_squeeze %dma_wait3A_216 : memref<1x4x128xi32, #tpu.memory_space<hbm>> -> memref<4x128xi32, #tpu.memory_space<hbm>>
      %dma_wait3A_218 = arith.constant 0 : i32
      %dma_wait3A_219 = arith.constant 0 : i32
      %dma_wait3A_220 = tpu.memref_slice %arg4[%add3A, %dma_wait3A_218, %dma_wait3A_219] : memref<32x4x128xi32, #tpu.memory_space<hbm>> -> memref<1x4x128xi32, #tpu.memory_space<hbm>>
      %dma_wait3A_221 = tpu.memref_squeeze %dma_wait3A_220 : memref<1x4x128xi32, #tpu.memory_space<hbm>> -> memref<4x128xi32, #tpu.memory_space<hbm>>
      tpu.wait_dma2 semaphore(%run_scoped3A : memref<!tpu.dma_semaphore, #tpu.memory_space<semaphore_mem>>) src(%dma_wait3A_221 : memref<4x128xi32, #tpu.memory_space<hbm>>) dst(%arg10 : memref<4x128xi32, #tpu.memory_space<vmem>>)
      tpu.yield
    }) : () -> ()
    %dma_start3A = arith.constant 0 : i32
    %dma_start3A_1 = arith.constant 0 : i32
    %dma_start3A_2 = tpu.memref_slice %arg8[%dma_start3A, %dma_start3A_1] : memref<4x128xi32, #tpu.memory_space<vmem>> -> memref<1x128xi32, #tpu.memory_space<vmem>>
    %dma_start3A_3 = tpu.memref_squeeze %dma_start3A_2 : memref<1x128xi32, #tpu.memory_space<vmem>> -> memref<128xi32, #tpu.memory_space<vmem>>
    %dma_start3A_4 = arith.constant 0 : i32
    %dma_start3A_5 = arith.constant 0 : i32
    %dma_start3A_6 = tpu.memref_slice %arg5[%dma_start3A_4, %dma_start3A_5] : memref<1000000x128xf32, #tpu.memory_space<hbm>> -> memref<1000000x128xf32, #tpu.memory_space<hbm>>
    tpu.enqueue_indirect_dma source(%dma_start3A_6 : memref<1000000x128xf32, #tpu.memory_space<hbm>>) target(%arg11 : memref<128x128xf32, #tpu.memory_space<vmem>>) offsets(%dma_start3A_3 : memref<128xi32, #tpu.memory_space<vmem>>) semaphore(%arg15 : memref<!tpu.dma_semaphore, #tpu.memory_space<semaphore_mem>>)
    %dma_start3A_7 = arith.constant 0 : i32
    %dma_start3A_8 = arith.constant 0 : i32
    %dma_start3A_9 = tpu.memref_slice %arg10[%dma_start3A_7, %dma_start3A_8] : memref<4x128xi32, #tpu.memory_space<vmem>> -> memref<1x128xi32, #tpu.memory_space<vmem>>
    %dma_start3A_10 = tpu.memref_squeeze %dma_start3A_9 : memref<1x128xi32, #tpu.memory_space<vmem>> -> memref<128xi32, #tpu.memory_space<vmem>>
    %dma_start3A_11 = arith.constant 0 : i32
    %dma_start3A_12 = arith.constant 0 : i32
    %dma_start3A_13 = tpu.memref_slice %arg5[%dma_start3A_11, %dma_start3A_12] : memref<1000000x128xf32, #tpu.memory_space<hbm>> -> memref<1000000x128xf32, #tpu.memory_space<hbm>>
    tpu.enqueue_indirect_dma source(%dma_start3A_13 : memref<1000000x128xf32, #tpu.memory_space<hbm>>) target(%arg12 : memref<128x128xf32, #tpu.memory_space<vmem>>) offsets(%dma_start3A_10 : memref<128xi32, #tpu.memory_space<vmem>>) semaphore(%arg15 : memref<!tpu.dma_semaphore, #tpu.memory_space<semaphore_mem>>)
    %dma_start3A_14 = arith.constant 0 : i32
    %dma_start3A_15 = arith.constant 0 : i32
    %dma_start3A_16 = tpu.memref_slice %arg9[%dma_start3A_14, %dma_start3A_15] : memref<4x128xi32, #tpu.memory_space<vmem>> -> memref<1x128xi32, #tpu.memory_space<vmem>>
    %dma_start3A_17 = tpu.memref_squeeze %dma_start3A_16 : memref<1x128xi32, #tpu.memory_space<vmem>> -> memref<128xi32, #tpu.memory_space<vmem>>
    %dma_start3A_18 = arith.constant 0 : i32
    %dma_start3A_19 = arith.constant 0 : i32
    %dma_start3A_20 = tpu.memref_slice %arg6[%dma_start3A_18, %dma_start3A_19] : memref<1000x128xf32, #tpu.memory_space<hbm>> -> memref<1000x128xf32, #tpu.memory_space<hbm>>
    tpu.enqueue_indirect_dma source(%dma_start3A_20 : memref<1000x128xf32, #tpu.memory_space<hbm>>) target(%arg13 : memref<128x128xf32, #tpu.memory_space<vmem>>) offsets(%dma_start3A_17 : memref<128xi32, #tpu.memory_space<vmem>>) semaphore(%arg15 : memref<!tpu.dma_semaphore, #tpu.memory_space<semaphore_mem>>)
    %dma_wait3A = arith.constant 0 : i32
    %dma_wait3A_21 = arith.constant 0 : i32
    %dma_wait3A_22 = tpu.memref_slice %arg8[%dma_wait3A, %dma_wait3A_21] : memref<4x128xi32, #tpu.memory_space<vmem>> -> memref<1x128xi32, #tpu.memory_space<vmem>>
    %dma_wait3A_23 = tpu.memref_squeeze %dma_wait3A_22 : memref<1x128xi32, #tpu.memory_space<vmem>> -> memref<128xi32, #tpu.memory_space<vmem>>
    %dma_wait3A_24 = arith.constant 0 : i32
    %dma_wait3A_25 = arith.constant 0 : i32
    %dma_wait3A_26 = tpu.memref_slice %arg5[%dma_wait3A_24, %dma_wait3A_25] : memref<1000000x128xf32, #tpu.memory_space<hbm>> -> memref<1000000x128xf32, #tpu.memory_space<hbm>>
    tpu.wait_indirect_dma semaphore(%arg15 : memref<!tpu.dma_semaphore, #tpu.memory_space<semaphore_mem>>) src(%dma_wait3A_26 : memref<1000000x128xf32, #tpu.memory_space<hbm>>) dst(%arg11 : memref<128x128xf32, #tpu.memory_space<vmem>>)
    %dma_wait3A_27 = arith.constant 0 : i32
    %dma_wait3A_28 = arith.constant 0 : i32
    %dma_wait3A_29 = tpu.memref_slice %arg10[%dma_wait3A_27, %dma_wait3A_28] : memref<4x128xi32, #tpu.memory_space<vmem>> -> memref<1x128xi32, #tpu.memory_space<vmem>>
    %dma_wait3A_30 = tpu.memref_squeeze %dma_wait3A_29 : memref<1x128xi32, #tpu.memory_space<vmem>> -> memref<128xi32, #tpu.memory_space<vmem>>
    %dma_wait3A_31 = arith.constant 0 : i32
    %dma_wait3A_32 = arith.constant 0 : i32
    %dma_wait3A_33 = tpu.memref_slice %arg5[%dma_wait3A_31, %dma_wait3A_32] : memref<1000000x128xf32, #tpu.memory_space<hbm>> -> memref<1000000x128xf32, #tpu.memory_space<hbm>>
    tpu.wait_indirect_dma semaphore(%arg15 : memref<!tpu.dma_semaphore, #tpu.memory_space<semaphore_mem>>) src(%dma_wait3A_33 : memref<1000000x128xf32, #tpu.memory_space<hbm>>) dst(%arg12 : memref<128x128xf32, #tpu.memory_space<vmem>>)
    %dma_wait3A_34 = arith.constant 0 : i32
    %dma_wait3A_35 = arith.constant 0 : i32
    %dma_wait3A_36 = tpu.memref_slice %arg9[%dma_wait3A_34, %dma_wait3A_35] : memref<4x128xi32, #tpu.memory_space<vmem>> -> memref<1x128xi32, #tpu.memory_space<vmem>>
    %dma_wait3A_37 = tpu.memref_squeeze %dma_wait3A_36 : memref<1x128xi32, #tpu.memory_space<vmem>> -> memref<128xi32, #tpu.memory_space<vmem>>
    %dma_wait3A_38 = arith.constant 0 : i32
    %dma_wait3A_39 = arith.constant 0 : i32
    %dma_wait3A_40 = tpu.memref_slice %arg6[%dma_wait3A_38, %dma_wait3A_39] : memref<1000x128xf32, #tpu.memory_space<hbm>> -> memref<1000x128xf32, #tpu.memory_space<hbm>>
    tpu.wait_indirect_dma semaphore(%arg15 : memref<!tpu.dma_semaphore, #tpu.memory_space<semaphore_mem>>) src(%dma_wait3A_40 : memref<1000x128xf32, #tpu.memory_space<hbm>>) dst(%arg13 : memref<128x128xf32, #tpu.memory_space<vmem>>)
    %scan3A = arith.constant 0 : i32
    %scan3A_41 = arith.constant 0 : i32
    %scan3A_42 = arith.constant 128 : i32
    %scan3A_43 = arith.addi %scan3A_41, %scan3A_42 : i32
    %scan3A_44 = arith.constant 1 : i32
    scf.for %scan3A_206 = %scan3A_41 to %scan3A_43 step %scan3A_44  : i32 {
      %broadcast_in_dim3A = arith.constant 0.000000e+00 : f32
      %broadcast_in_dim3A_207 = vector.broadcast %broadcast_in_dim3A : f32 to vector<16xf32>
      %get3A = arith.index_cast %scan3A_206 : i32 to index
      %get3A_208 = arith.constant 0 : index
      %get3A_209 = tpu.vector_load %arg11[%get3A, %get3A_208] {strides = array<i32>} : memref<128x128xf32, #tpu.memory_space<vmem>>, vector<1x16xf32>,
      %get3A_210 = vector.shape_cast %get3A_209 : vector<1x16xf32> to vector<16xf32>
      %get3A_211 = arith.index_cast %scan3A_206 : i32 to index
      %get3A_212 = arith.constant 64 : index
      %get3A_213 = tpu.vector_load %arg11[%get3A_211, %get3A_212] {strides = array<i32>} : memref<128x128xf32, #tpu.memory_space<vmem>>, vector<1x16xf32>,
      %get3A_214 = vector.shape_cast %get3A_213 : vector<1x16xf32> to vector<16xf32>
      %get3A_215 = arith.index_cast %scan3A_206 : i32 to index
      %get3A_216 = arith.constant 0 : index
      %get3A_217 = tpu.vector_load %arg12[%get3A_215, %get3A_216] {strides = array<i32>} : memref<128x128xf32, #tpu.memory_space<vmem>>, vector<1x16xf32>,
      %get3A_218 = vector.shape_cast %get3A_217 : vector<1x16xf32> to vector<16xf32>
      %get3A_219 = arith.index_cast %scan3A_206 : i32 to index
      %get3A_220 = arith.constant 64 : index
      %get3A_221 = tpu.vector_load %arg12[%get3A_219, %get3A_220] {strides = array<i32>} : memref<128x128xf32, #tpu.memory_space<vmem>>, vector<1x16xf32>,
      %get3A_222 = vector.shape_cast %get3A_221 : vector<1x16xf32> to vector<16xf32>
      %get3A_223 = arith.index_cast %scan3A_206 : i32 to index
      %get3A_224 = arith.constant 0 : index
      %get3A_225 = tpu.vector_load %arg13[%get3A_223, %get3A_224] {strides = array<i32>} : memref<128x128xf32, #tpu.memory_space<vmem>>, vector<1x16xf32>,
      %get3A_226 = vector.shape_cast %get3A_225 : vector<1x16xf32> to vector<16xf32>
      %get3A_227 = arith.index_cast %scan3A_206 : i32 to index
      %get3A_228 = arith.constant 64 : index
      %get3A_229 = tpu.vector_load %arg13[%get3A_227, %get3A_228] {strides = array<i32>} : memref<128x128xf32, #tpu.memory_space<vmem>>, vector<1x16xf32>,
      %get3A_230 = vector.shape_cast %get3A_229 : vector<1x16xf32> to vector<16xf32>
      %mul3A_231 = arith.mulf %get3A_210, %get3A_218 : vector<16xf32>
      %mul3A_232 = arith.mulf %get3A_214, %get3A_222 : vector<16xf32>
      %add3A_233 = arith.addf %mul3A_231, %mul3A_232 : vector<16xf32>
      %mul3A_234 = arith.mulf %get3A_226, %add3A_233 : vector<16xf32>
      %add3A_235 = arith.addf %broadcast_in_dim3A_207, %mul3A_234 : vector<16xf32>
      %mul3A_236 = arith.mulf %get3A_210, %get3A_222 : vector<16xf32>
      %mul3A_237 = arith.mulf %get3A_214, %get3A_218 : vector<16xf32>
      %sub3A = arith.subf %mul3A_236, %mul3A_237 : vector<16xf32>
      %mul3A_238 = arith.mulf %get3A_230, %sub3A : vector<16xf32>
      %add3A_239 = arith.addf %add3A_235, %mul3A_238 : vector<16xf32>
      %get3A_240 = arith.index_cast %scan3A_206 : i32 to index
      %get3A_241 = arith.constant 16 : index
      %get3A_242 = tpu.vector_load %arg11[%get3A_240, %get3A_241] {strides = array<i32>} : memref<128x128xf32, #tpu.memory_space<vmem>>, vector<1x16xf32>,
      %get3A_243 = vector.shape_cast %get3A_242 : vector<1x16xf32> to vector<16xf32>
      %get3A_244 = arith.index_cast %scan3A_206 : i32 to index
      %get3A_245 = arith.constant 80 : index
      %get3A_246 = tpu.vector_load %arg11[%get3A_244, %get3A_245] {strides = array<i32>} : memref<128x128xf32, #tpu.memory_space<vmem>>, vector<1x16xf32>,
      %get3A_247 = vector.shape_cast %get3A_246 : vector<1x16xf32> to vector<16xf32>
      %get3A_248 = arith.index_cast %scan3A_206 : i32 to index
      %get3A_249 = arith.constant 16 : index
      %get3A_250 = tpu.vector_load %arg12[%get3A_248, %get3A_249] {strides = array<i32>} : memref<128x128xf32, #tpu.memory_space<vmem>>, vector<1x16xf32>,
      %get3A_251 = vector.shape_cast %get3A_250 : vector<1x16xf32> to vector<16xf32>
      %get3A_252 = arith.index_cast %scan3A_206 : i32 to index
      %get3A_253 = arith.constant 80 : index
      %get3A_254 = tpu.vector_load %arg12[%get3A_252, %get3A_253] {strides = array<i32>} : memref<128x128xf32, #tpu.memory_space<vmem>>, vector<1x16xf32>,
      %get3A_255 = vector.shape_cast %get3A_254 : vector<1x16xf32> to vector<16xf32>
      %get3A_256 = arith.index_cast %scan3A_206 : i32 to index
      %get3A_257 = arith.constant 16 : index
      %get3A_258 = tpu.vector_load %arg13[%get3A_256, %get3A_257] {strides = array<i32>} : memref<128x128xf32, #tpu.memory_space<vmem>>, vector<1x16xf32>,
      %get3A_259 = vector.shape_cast %get3A_258 : vector<1x16xf32> to vector<16xf32>
      %get3A_260 = arith.index_cast %scan3A_206 : i32 to index
      %get3A_261 = arith.constant 80 : index
      %get3A_262 = tpu.vector_load %arg13[%get3A_260, %get3A_261] {strides = array<i32>} : memref<128x128xf32, #tpu.memory_space<vmem>>, vector<1x16xf32>,
      %get3A_263 = vector.shape_cast %get3A_262 : vector<1x16xf32> to vector<16xf32>
      %mul3A_264 = arith.mulf %get3A_243, %get3A_251 : vector<16xf32>
      %mul3A_265 = arith.mulf %get3A_247, %get3A_255 : vector<16xf32>
      %add3A_266 = arith.addf %mul3A_264, %mul3A_265 : vector<16xf32>
      %mul3A_267 = arith.mulf %get3A_259, %add3A_266 : vector<16xf32>
      %add3A_268 = arith.addf %add3A_239, %mul3A_267 : vector<16xf32>
      %mul3A_269 = arith.mulf %get3A_243, %get3A_255 : vector<16xf32>
      %mul3A_270 = arith.mulf %get3A_247, %get3A_251 : vector<16xf32>
      %sub3A_271 = arith.subf %mul3A_269, %mul3A_270 : vector<16xf32>
      %mul3A_272 = arith.mulf %get3A_263, %sub3A_271 : vector<16xf32>
      %add3A_273 = arith.addf %add3A_268, %mul3A_272 : vector<16xf32>
      %get3A_274 = arith.index_cast %scan3A_206 : i32 to index
      %get3A_275 = arith.constant 32 : index
      %get3A_276 = tpu.vector_load %arg11[%get3A_274, %get3A_275] {strides = array<i32>} : memref<128x128xf32, #tpu.memory_space<vmem>>, vector<1x16xf32>,
      %get3A_277 = vector.shape_cast %get3A_276 : vector<1x16xf32> to vector<16xf32>
      %get3A_278 = arith.index_cast %scan3A_206 : i32 to index
      %get3A_279 = arith.constant 96 : index
      %get3A_280 = tpu.vector_load %arg11[%get3A_278, %get3A_279] {strides = array<i32>} : memref<128x128xf32, #tpu.memory_space<vmem>>, vector<1x16xf32>,
      %get3A_281 = vector.shape_cast %get3A_280 : vector<1x16xf32> to vector<16xf32>
      %get3A_282 = arith.index_cast %scan3A_206 : i32 to index
      %get3A_283 = arith.constant 32 : index
      %get3A_284 = tpu.vector_load %arg12[%get3A_282, %get3A_283] {strides = array<i32>} : memref<128x128xf32, #tpu.memory_space<vmem>>, vector<1x16xf32>,
      %get3A_285 = vector.shape_cast %get3A_284 : vector<1x16xf32> to vector<16xf32>
      %get3A_286 = arith.index_cast %scan3A_206 : i32 to index
      %get3A_287 = arith.constant 96 : index
      %get3A_288 = tpu.vector_load %arg12[%get3A_286, %get3A_287] {strides = array<i32>} : memref<128x128xf32, #tpu.memory_space<vmem>>, vector<1x16xf32>,
      %get3A_289 = vector.shape_cast %get3A_288 : vector<1x16xf32> to vector<16xf32>
      %get3A_290 = arith.index_cast %scan3A_206 : i32 to index
      %get3A_291 = arith.constant 32 : index
      %get3A_292 = tpu.vector_load %arg13[%get3A_290, %get3A_291] {strides = array<i32>} : memref<128x128xf32, #tpu.memory_space<vmem>>, vector<1x16xf32>,
      %get3A_293 = vector.shape_cast %get3A_292 : vector<1x16xf32> to vector<16xf32>
      %get3A_294 = arith.index_cast %scan3A_206 : i32 to index
      %get3A_295 = arith.constant 96 : index
      %get3A_296 = tpu.vector_load %arg13[%get3A_294, %get3A_295] {strides = array<i32>} : memref<128x128xf32, #tpu.memory_space<vmem>>, vector<1x16xf32>,
      %get3A_297 = vector.shape_cast %get3A_296 : vector<1x16xf32> to vector<16xf32>
      %mul3A_298 = arith.mulf %get3A_277, %get3A_285 : vector<16xf32>
      %mul3A_299 = arith.mulf %get3A_281, %get3A_289 : vector<16xf32>
      %add3A_300 = arith.addf %mul3A_298, %mul3A_299 : vector<16xf32>
      %mul3A_301 = arith.mulf %get3A_293, %add3A_300 : vector<16xf32>
      %add3A_302 = arith.addf %add3A_273, %mul3A_301 : vector<16xf32>
      %mul3A_303 = arith.mulf %get3A_277, %get3A_289 : vector<16xf32>
      %mul3A_304 = arith.mulf %get3A_281, %get3A_285 : vector<16xf32>
      %sub3A_305 = arith.subf %mul3A_303, %mul3A_304 : vector<16xf32>
      %mul3A_306 = arith.mulf %get3A_297, %sub3A_305 : vector<16xf32>
      %add3A_307 = arith.addf %add3A_302, %mul3A_306 : vector<16xf32>
      %get3A_308 = arith.index_cast %scan3A_206 : i32 to index
      %get3A_309 = arith.constant 48 : index
      %get3A_310 = tpu.vector_load %arg11[%get3A_308, %get3A_309] {strides = array<i32>} : memref<128x128xf32, #tpu.memory_space<vmem>>, vector<1x16xf32>,
      %get3A_311 = vector.shape_cast %get3A_310 : vector<1x16xf32> to vector<16xf32>
      %get3A_312 = arith.index_cast %scan3A_206 : i32 to index
      %get3A_313 = arith.constant 112 : index
      %get3A_314 = tpu.vector_load %arg11[%get3A_312, %get3A_313] {strides = array<i32>} : memref<128x128xf32, #tpu.memory_space<vmem>>, vector<1x16xf32>,
      %get3A_315 = vector.shape_cast %get3A_314 : vector<1x16xf32> to vector<16xf32>
      %get3A_316 = arith.index_cast %scan3A_206 : i32 to index
      %get3A_317 = arith.constant 48 : index
      %get3A_318 = tpu.vector_load %arg12[%get3A_316, %get3A_317] {strides = array<i32>} : memref<128x128xf32, #tpu.memory_space<vmem>>, vector<1x16xf32>,
      %get3A_319 = vector.shape_cast %get3A_318 : vector<1x16xf32> to vector<16xf32>
      %get3A_320 = arith.index_cast %scan3A_206 : i32 to index
      %get3A_321 = arith.constant 112 : index
      %get3A_322 = tpu.vector_load %arg12[%get3A_320, %get3A_321] {strides = array<i32>} : memref<128x128xf32, #tpu.memory_space<vmem>>, vector<1x16xf32>,
      %get3A_323 = vector.shape_cast %get3A_322 : vector<1x16xf32> to vector<16xf32>
      %get3A_324 = arith.index_cast %scan3A_206 : i32 to index
      %get3A_325 = arith.constant 48 : index
      %get3A_326 = tpu.vector_load %arg13[%get3A_324, %get3A_325] {strides = array<i32>} : memref<128x128xf32, #tpu.memory_space<vmem>>, vector<1x16xf32>,
      %get3A_327 = vector.shape_cast %get3A_326 : vector<1x16xf32> to vector<16xf32>
      %get3A_328 = arith.index_cast %scan3A_206 : i32 to index
      %get3A_329 = arith.constant 112 : index
      %get3A_330 = tpu.vector_load %arg13[%get3A_328, %get3A_329] {strides = array<i32>} : memref<128x128xf32, #tpu.memory_space<vmem>>, vector<1x16xf32>,
      %get3A_331 = vector.shape_cast %get3A_330 : vector<1x16xf32> to vector<16xf32>
      %mul3A_332 = arith.mulf %get3A_311, %get3A_319 : vector<16xf32>
      %mul3A_333 = arith.mulf %get3A_315, %get3A_323 : vector<16xf32>
      %add3A_334 = arith.addf %mul3A_332, %mul3A_333 : vector<16xf32>
      %mul3A_335 = arith.mulf %get3A_327, %add3A_334 : vector<16xf32>
      %add3A_336 = arith.addf %add3A_307, %mul3A_335 : vector<16xf32>
      %mul3A_337 = arith.mulf %get3A_311, %get3A_323 : vector<16xf32>
      %mul3A_338 = arith.mulf %get3A_315, %get3A_319 : vector<16xf32>
      %sub3A_339 = arith.subf %mul3A_337, %mul3A_338 : vector<16xf32>
      %mul3A_340 = arith.mulf %get3A_331, %sub3A_339 : vector<16xf32>
      %add3A_341 = arith.addf %add3A_336, %mul3A_340 : vector<16xf32>
      %jit3A = arith.constant 8 : i32
      %div3A = arith.divsi %scan3A_206, %jit3A : i32
      %sign3A = arith.constant 0 : i32
      %sign3A_342 = arith.cmpi sgt, %scan3A_206, %sign3A : i32
      %sign3A_343 = arith.extui %sign3A_342 : i1 to i32
      %sign3A_344 = arith.constant 0 : i32
      %sign3A_345 = arith.cmpi slt, %scan3A_206, %sign3A_344 : i32
      %sign3A_346 = arith.extui %sign3A_345 : i1 to i32
      %sign3A_347 = arith.subi %sign3A_343, %sign3A_346 : i32
      %sign3A_348 = arith.constant 0 : i32
      %sign3A_349 = arith.cmpi sgt, %jit3A, %sign3A_348 : i32
      %sign3A_350 = arith.extui %sign3A_349 : i1 to i32
      %sign3A_351 = arith.constant 0 : i32
      %sign3A_352 = arith.cmpi slt, %jit3A, %sign3A_351 : i32
      %sign3A_353 = arith.extui %sign3A_352 : i1 to i32
      %sign3A_354 = arith.subi %sign3A_350, %sign3A_353 : i32
      %ne3A = arith.cmpi ne, %sign3A_347, %sign3A_354 : i32
      %rem3A = arith.remsi %scan3A_206, %jit3A : i32
      %ne3A_355 = arith.constant 0 : i32
      %ne3A_356 = arith.cmpi ne, %rem3A, %ne3A_355 : i32
      %and3A = arith.andi %ne3A, %ne3A_356 : i1
      %sub3A_357 = arith.constant 1 : i32
      %sub3A_358 = arith.subi %div3A, %sub3A_357 : i32
      %select_n3A = arith.select %and3A, %sub3A_358, %div3A : i32
      %jit3A_359 = arith.constant 8 : i32
      %eq3A = arith.constant 0 : i32
      %eq3A_360 = arith.cmpi eq, %jit3A_359, %eq3A : i32
      %jit3A_361 = arith.constant 1 : i32
      %select_n3A_362 = arith.select %eq3A_360, %jit3A_361, %jit3A_359 : i32
      %rem3A_363 = arith.remsi %scan3A_206, %select_n3A_362 : i32
      %ne3A_364 = arith.constant 0 : i32
      %ne3A_365 = arith.cmpi ne, %rem3A_363, %ne3A_364 : i32
      %lt3A = arith.constant 0 : i32
      %lt3A_366 = arith.cmpi slt, %rem3A_363, %lt3A : i32
      %lt3A_367 = arith.constant 0 : i32
      %lt3A_368 = arith.cmpi slt, %select_n3A_362, %lt3A_367 : i32
      %ne3A_369 = arith.xori %lt3A_366, %lt3A_368 : i1
      %and3A_370 = arith.andi %ne3A_369, %ne3A_365 : i1
      %add3A_371 = arith.addi %rem3A_363, %select_n3A_362 : i32
      %select_n3A_372 = arith.select %and3A_370, %add3A_371, %rem3A_363 : i32
      %mul3A_373 = arith.constant 16 : i32
      %mul3A_374 = arith.muli %select_n3A_372, %mul3A_373 : i32
      %swap3A = arith.index_cast %select_n3A : i32 to index
      %swap3A_375 = arith.index_cast %mul3A_374 : i32 to index
      %swap3A_376 = tpu.vector_load %arg14[%swap3A, %swap3A_375] {strides = array<i32>} : memref<16x128xf32, #tpu.memory_space<vmem>>, vector<1x16xf32>,
      %swap3A_377 = vector.shape_cast %swap3A_376 : vector<1x16xf32> to vector<16xf32>
      %swap3A_378 = vector.shape_cast %add3A_341 : vector<16xf32> to vector<1x16xf32>
      tpu.vector_store %arg14[%swap3A, %swap3A_375], %swap3A_378 {strides = array<i32>} : memref<16x128xf32, #tpu.memory_space<vmem>>, vector<1x16xf32>,
    }
    %scan3A_45 = arith.constant 128 : i32
    %mul3A_46 = arith.constant 64 : i32
    %mul3A_47 = arith.muli %add3A, %mul3A_46 : i32
    %add3A_48 = arith.constant 0 : i32
    %add3A_49 = arith.addi %mul3A_47, %add3A_48 : i32
    "tpu.region"() ({
      %run_scoped3A = tpu.sem_alloc : memref<!tpu.dma_semaphore, #tpu.memory_space<semaphore_mem>>
      %dma_start3A_206 = arith.constant 0 : i32
      %dma_start3A_207 = tpu.memref_slice %arg7[%add3A_49, %dma_start3A_206] : memref<2048x128xf32, #tpu.memory_space<hbm>> -> memref<16x128xf32, #tpu.memory_space<hbm>>
      %dma_start3A_208 = arith.constant 0 : i32
      %dma_start3A_209 = tpu.memref_slice %arg7[%add3A_49, %dma_start3A_208] : memref<2048x128xf32, #tpu.memory_space<hbm>> -> memref<16x128xf32, #tpu.memory_space<hbm>>
      tpu.enqueue_dma source(%arg14 : memref<16x128xf32, #tpu.memory_space<vmem>>) target(%dma_start3A_209 : memref<16x128xf32, #tpu.memory_space<hbm>>) target_semaphore(%run_scoped3A : memref<!tpu.dma_semaphore, #tpu.memory_space<semaphore_mem>>)
      %dma_wait3A_210 = arith.constant 0 : i32
      %dma_wait3A_211 = tpu.memref_slice %arg7[%add3A_49, %dma_wait3A_210] : memref<2048x128xf32, #tpu.memory_space<hbm>> -> memref<16x128xf32, #tpu.memory_space<hbm>>
      %dma_wait3A_212 = arith.constant 0 : i32
      %dma_wait3A_213 = tpu.memref_slice %arg7[%add3A_49, %dma_wait3A_212] : memref<2048x128xf32, #tpu.memory_space<hbm>> -> memref<16x128xf32, #tpu.memory_space<hbm>>
      tpu.wait_dma2 semaphore(%run_scoped3A : memref<!tpu.dma_semaphore, #tpu.memory_space<semaphore_mem>>) src(%arg14 : memref<16x128xf32, #tpu.memory_space<vmem>>) dst(%dma_wait3A_213 : memref<16x128xf32, #tpu.memory_space<hbm>>)
      tpu.yield
    }) : () -> ()
    %dma_start3A_50 = arith.constant 1 : i32
    %dma_start3A_51 = arith.constant 0 : i32
    %dma_start3A_52 = tpu.memref_slice %arg8[%dma_start3A_50, %dma_start3A_51] : memref<4x128xi32, #tpu.memory_space<vmem>> -> memref<1x128xi32, #tpu.memory_space<vmem>>
    %dma_start3A_53 = tpu.memref_squeeze %dma_start3A_52 : memref<1x128xi32, #tpu.memory_space<vmem>> -> memref<128xi32, #tpu.memory_space<vmem>>
    %dma_start3A_54 = arith.constant 0 : i32
    %dma_start3A_55 = arith.constant 0 : i32
    %dma_start3A_56 = tpu.memref_slice %arg5[%dma_start3A_54, %dma_start3A_55] : memref<1000000x128xf32, #tpu.memory_space<hbm>> -> memref<1000000x128xf32, #tpu.memory_space<hbm>>
    tpu.enqueue_indirect_dma source(%dma_start3A_56 : memref<1000000x128xf32, #tpu.memory_space<hbm>>) target(%arg11 : memref<128x128xf32, #tpu.memory_space<vmem>>) offsets(%dma_start3A_53 : memref<128xi32, #tpu.memory_space<vmem>>) semaphore(%arg15 : memref<!tpu.dma_semaphore, #tpu.memory_space<semaphore_mem>>)
    %dma_start3A_57 = arith.constant 1 : i32
    %dma_start3A_58 = arith.constant 0 : i32
    %dma_start3A_59 = tpu.memref_slice %arg10[%dma_start3A_57, %dma_start3A_58] : memref<4x128xi32, #tpu.memory_space<vmem>> -> memref<1x128xi32, #tpu.memory_space<vmem>>
    %dma_start3A_60 = tpu.memref_squeeze %dma_start3A_59 : memref<1x128xi32, #tpu.memory_space<vmem>> -> memref<128xi32, #tpu.memory_space<vmem>>
    %dma_start3A_61 = arith.constant 0 : i32
    %dma_start3A_62 = arith.constant 0 : i32
    %dma_start3A_63 = tpu.memref_slice %arg5[%dma_start3A_61, %dma_start3A_62] : memref<1000000x128xf32, #tpu.memory_space<hbm>> -> memref<1000000x128xf32, #tpu.memory_space<hbm>>
    tpu.enqueue_indirect_dma source(%dma_start3A_63 : memref<1000000x128xf32, #tpu.memory_space<hbm>>) target(%arg12 : memref<128x128xf32, #tpu.memory_space<vmem>>) offsets(%dma_start3A_60 : memref<128xi32, #tpu.memory_space<vmem>>) semaphore(%arg15 : memref<!tpu.dma_semaphore, #tpu.memory_space<semaphore_mem>>)
    %dma_start3A_64 = arith.constant 1 : i32
    %dma_start3A_65 = arith.constant 0 : i32
    %dma_start3A_66 = tpu.memref_slice %arg9[%dma_start3A_64, %dma_start3A_65] : memref<4x128xi32, #tpu.memory_space<vmem>> -> memref<1x128xi32, #tpu.memory_space<vmem>>
    %dma_start3A_67 = tpu.memref_squeeze %dma_start3A_66 : memref<1x128xi32, #tpu.memory_space<vmem>> -> memref<128xi32, #tpu.memory_space<vmem>>
    %dma_start3A_68 = arith.constant 0 : i32
    %dma_start3A_69 = arith.constant 0 : i32
    %dma_start3A_70 = tpu.memref_slice %arg6[%dma_start3A_68, %dma_start3A_69] : memref<1000x128xf32, #tpu.memory_space<hbm>> -> memref<1000x128xf32, #tpu.memory_space<hbm>>
    tpu.enqueue_indirect_dma source(%dma_start3A_70 : memref<1000x128xf32, #tpu.memory_space<hbm>>) target(%arg13 : memref<128x128xf32, #tpu.memory_space<vmem>>) offsets(%dma_start3A_67 : memref<128xi32, #tpu.memory_space<vmem>>) semaphore(%arg15 : memref<!tpu.dma_semaphore, #tpu.memory_space<semaphore_mem>>)
    %dma_wait3A_71 = arith.constant 1 : i32
    %dma_wait3A_72 = arith.constant 0 : i32
    %dma_wait3A_73 = tpu.memref_slice %arg8[%dma_wait3A_71, %dma_wait3A_72] : memref<4x128xi32, #tpu.memory_space<vmem>> -> memref<1x128xi32, #tpu.memory_space<vmem>>
    %dma_wait3A_74 = tpu.memref_squeeze %dma_wait3A_73 : memref<1x128xi32, #tpu.memory_space<vmem>> -> memref<128xi32, #tpu.memory_space<vmem>>
    %dma_wait3A_75 = arith.constant 0 : i32
    %dma_wait3A_76 = arith.constant 0 : i32
    %dma_wait3A_77 = tpu.memref_slice %arg5[%dma_wait3A_75, %dma_wait3A_76] : memref<1000000x128xf32, #tpu.memory_space<hbm>> -> memref<1000000x128xf32, #tpu.memory_space<hbm>>
    tpu.wait_indirect_dma semaphore(%arg15 : memref<!tpu.dma_semaphore, #tpu.memory_space<semaphore_mem>>) src(%dma_wait3A_77 : memref<1000000x128xf32, #tpu.memory_space<hbm>>) dst(%arg11 : memref<128x128xf32, #tpu.memory_space<vmem>>)
    %dma_wait3A_78 = arith.constant 1 : i32
    %dma_wait3A_79 = arith.constant 0 : i32
    %dma_wait3A_80 = tpu.memref_slice %arg10[%dma_wait3A_78, %dma_wait3A_79] : memref<4x128xi32, #tpu.memory_space<vmem>> -> memref<1x128xi32, #tpu.memory_space<vmem>>
    %dma_wait3A_81 = tpu.memref_squeeze %dma_wait3A_80 : memref<1x128xi32, #tpu.memory_space<vmem>> -> memref<128xi32, #tpu.memory_space<vmem>>
    %dma_wait3A_82 = arith.constant 0 : i32
    %dma_wait3A_83 = arith.constant 0 : i32
    %dma_wait3A_84 = tpu.memref_slice %arg5[%dma_wait3A_82, %dma_wait3A_83] : memref<1000000x128xf32, #tpu.memory_space<hbm>> -> memref<1000000x128xf32, #tpu.memory_space<hbm>>
    tpu.wait_indirect_dma semaphore(%arg15 : memref<!tpu.dma_semaphore, #tpu.memory_space<semaphore_mem>>) src(%dma_wait3A_84 : memref<1000000x128xf32, #tpu.memory_space<hbm>>) dst(%arg12 : memref<128x128xf32, #tpu.memory_space<vmem>>)
    %dma_wait3A_85 = arith.constant 1 : i32
    %dma_wait3A_86 = arith.constant 0 : i32
    %dma_wait3A_87 = tpu.memref_slice %arg9[%dma_wait3A_85, %dma_wait3A_86] : memref<4x128xi32, #tpu.memory_space<vmem>> -> memref<1x128xi32, #tpu.memory_space<vmem>>
    %dma_wait3A_88 = tpu.memref_squeeze %dma_wait3A_87 : memref<1x128xi32, #tpu.memory_space<vmem>> -> memref<128xi32, #tpu.memory_space<vmem>>
    %dma_wait3A_89 = arith.constant 0 : i32
    %dma_wait3A_90 = arith.constant 0 : i32
    %dma_wait3A_91 = tpu.memref_slice %arg6[%dma_wait3A_89, %dma_wait3A_90] : memref<1000x128xf32, #tpu.memory_space<hbm>> -> memref<1000x128xf32, #tpu.memory_space<hbm>>
    tpu.wait_indirect_dma semaphore(%arg15 : memref<!tpu.dma_semaphore, #tpu.memory_space<semaphore_mem>>) src(%dma_wait3A_91 : memref<1000x128xf32, #tpu.memory_space<hbm>>) dst(%arg13 : memref<128x128xf32, #tpu.memory_space<vmem>>)
    %scan3A_92 = arith.constant 0 : i32
    %scan3A_93 = arith.constant 0 : i32
    %scan3A_94 = arith.constant 128 : i32
    %scan3A_95 = arith.addi %scan3A_93, %scan3A_94 : i32
    %scan3A_96 = arith.constant 1 : i32
    scf.for %scan3A_206 = %scan3A_93 to %scan3A_95 step %scan3A_96  : i32 {
      %broadcast_in_dim3A = arith.constant 0.000000e+00 : f32
      %broadcast_in_dim3A_207 = vector.broadcast %broadcast_in_dim3A : f32 to vector<16xf32>
      %get3A = arith.index_cast %scan3A_206 : i32 to index
      %get3A_208 = arith.constant 0 : index
      %get3A_209 = tpu.vector_load %arg11[%get3A, %get3A_208] {strides = array<i32>} : memref<128x128xf32, #tpu.memory_space<vmem>>, vector<1x16xf32>,
      %get3A_210 = vector.shape_cast %get3A_209 : vector<1x16xf32> to vector<16xf32>
      %get3A_211 = arith.index_cast %scan3A_206 : i32 to index
      %get3A_212 = arith.constant 64 : index
      %get3A_213 = tpu.vector_load %arg11[%get3A_211, %get3A_212] {strides = array<i32>} : memref<128x128xf32, #tpu.memory_space<vmem>>, vector<1x16xf32>,
      %get3A_214 = vector.shape_cast %get3A_213 : vector<1x16xf32> to vector<16xf32>
      %get3A_215 = arith.index_cast %scan3A_206 : i32 to index
      %get3A_216 = arith.constant 0 : index
      %get3A_217 = tpu.vector_load %arg12[%get3A_215, %get3A_216] {strides = array<i32>} : memref<128x128xf32, #tpu.memory_space<vmem>>, vector<1x16xf32>,
      %get3A_218 = vector.shape_cast %get3A_217 : vector<1x16xf32> to vector<16xf32>
      %get3A_219 = arith.index_cast %scan3A_206 : i32 to index
      %get3A_220 = arith.constant 64 : index
      %get3A_221 = tpu.vector_load %arg12[%get3A_219, %get3A_220] {strides = array<i32>} : memref<128x128xf32, #tpu.memory_space<vmem>>, vector<1x16xf32>,
      %get3A_222 = vector.shape_cast %get3A_221 : vector<1x16xf32> to vector<16xf32>
      %get3A_223 = arith.index_cast %scan3A_206 : i32 to index
      %get3A_224 = arith.constant 0 : index
      %get3A_225 = tpu.vector_load %arg13[%get3A_223, %get3A_224] {strides = array<i32>} : memref<128x128xf32, #tpu.memory_space<vmem>>, vector<1x16xf32>,
      %get3A_226 = vector.shape_cast %get3A_225 : vector<1x16xf32> to vector<16xf32>
      %get3A_227 = arith.index_cast %scan3A_206 : i32 to index
      %get3A_228 = arith.constant 64 : index
      %get3A_229 = tpu.vector_load %arg13[%get3A_227, %get3A_228] {strides = array<i32>} : memref<128x128xf32, #tpu.memory_space<vmem>>, vector<1x16xf32>,
      %get3A_230 = vector.shape_cast %get3A_229 : vector<1x16xf32> to vector<16xf32>
      %mul3A_231 = arith.mulf %get3A_210, %get3A_218 : vector<16xf32>
      %mul3A_232 = arith.mulf %get3A_214, %get3A_222 : vector<16xf32>
      %add3A_233 = arith.addf %mul3A_231, %mul3A_232 : vector<16xf32>
      %mul3A_234 = arith.mulf %get3A_226, %add3A_233 : vector<16xf32>
      %add3A_235 = arith.addf %broadcast_in_dim3A_207, %mul3A_234 : vector<16xf32>
      %mul3A_236 = arith.mulf %get3A_210, %get3A_222 : vector<16xf32>
      %mul3A_237 = arith.mulf %get3A_214, %get3A_218 : vector<16xf32>
      %sub3A = arith.subf %mul3A_236, %mul3A_237 : vector<16xf32>
      %mul3A_238 = arith.mulf %get3A_230, %sub3A : vector<16xf32>
      %add3A_239 = arith.addf %add3A_235, %mul3A_238 : vector<16xf32>
      %get3A_240 = arith.index_cast %scan3A_206 : i32 to index
      %get3A_241 = arith.constant 16 : index
      %get3A_242 = tpu.vector_load %arg11[%get3A_240, %get3A_241] {strides = array<i32>} : memref<128x128xf32, #tpu.memory_space<vmem>>, vector<1x16xf32>,
      %get3A_243 = vector.shape_cast %get3A_242 : vector<1x16xf32> to vector<16xf32>
      %get3A_244 = arith.index_cast %scan3A_206 : i32 to index
      %get3A_245 = arith.constant 80 : index
      %get3A_246 = tpu.vector_load %arg11[%get3A_244, %get3A_245] {strides = array<i32>} : memref<128x128xf32, #tpu.memory_space<vmem>>, vector<1x16xf32>,
      %get3A_247 = vector.shape_cast %get3A_246 : vector<1x16xf32> to vector<16xf32>
      %get3A_248 = arith.index_cast %scan3A_206 : i32 to index
      %get3A_249 = arith.constant 16 : index
      %get3A_250 = tpu.vector_load %arg12[%get3A_248, %get3A_249] {strides = array<i32>} : memref<128x128xf32, #tpu.memory_space<vmem>>, vector<1x16xf32>,
      %get3A_251 = vector.shape_cast %get3A_250 : vector<1x16xf32> to vector<16xf32>
      %get3A_252 = arith.index_cast %scan3A_206 : i32 to index
      %get3A_253 = arith.constant 80 : index
      %get3A_254 = tpu.vector_load %arg12[%get3A_252, %get3A_253] {strides = array<i32>} : memref<128x128xf32, #tpu.memory_space<vmem>>, vector<1x16xf32>,
      %get3A_255 = vector.shape_cast %get3A_254 : vector<1x16xf32> to vector<16xf32>
      %get3A_256 = arith.index_cast %scan3A_206 : i32 to index
      %get3A_257 = arith.constant 16 : index
      %get3A_258 = tpu.vector_load %arg13[%get3A_256, %get3A_257] {strides = array<i32>} : memref<128x128xf32, #tpu.memory_space<vmem>>, vector<1x16xf32>,
      %get3A_259 = vector.shape_cast %get3A_258 : vector<1x16xf32> to vector<16xf32>
      %get3A_260 = arith.index_cast %scan3A_206 : i32 to index
      %get3A_261 = arith.constant 80 : index
      %get3A_262 = tpu.vector_load %arg13[%get3A_260, %get3A_261] {strides = array<i32>} : memref<128x128xf32, #tpu.memory_space<vmem>>, vector<1x16xf32>,
      %get3A_263 = vector.shape_cast %get3A_262 : vector<1x16xf32> to vector<16xf32>
      %mul3A_264 = arith.mulf %get3A_243, %get3A_251 : vector<16xf32>
      %mul3A_265 = arith.mulf %get3A_247, %get3A_255 : vector<16xf32>
      %add3A_266 = arith.addf %mul3A_264, %mul3A_265 : vector<16xf32>
      %mul3A_267 = arith.mulf %get3A_259, %add3A_266 : vector<16xf32>
      %add3A_268 = arith.addf %add3A_239, %mul3A_267 : vector<16xf32>
      %mul3A_269 = arith.mulf %get3A_243, %get3A_255 : vector<16xf32>
      %mul3A_270 = arith.mulf %get3A_247, %get3A_251 : vector<16xf32>
      %sub3A_271 = arith.subf %mul3A_269, %mul3A_270 : vector<16xf32>
      %mul3A_272 = arith.mulf %get3A_263, %sub3A_271 : vector<16xf32>
      %add3A_273 = arith.addf %add3A_268, %mul3A_272 : vector<16xf32>
      %get3A_274 = arith.index_cast %scan3A_206 : i32 to index
      %get3A_275 = arith.constant 32 : index
      %get3A_276 = tpu.vector_load %arg11[%get3A_274, %get3A_275] {strides = array<i32>} : memref<128x128xf32, #tpu.memory_space<vmem>>, vector<1x16xf32>,
      %get3A_277 = vector.shape_cast %get3A_276 : vector<1x16xf32> to vector<16xf32>
      %get3A_278 = arith.index_cast %scan3A_206 : i32 to index
      %get3A_279 = arith.constant 96 : index
      %get3A_280 = tpu.vector_load %arg11[%get3A_278, %get3A_279] {strides = array<i32>} : memref<128x128xf32, #tpu.memory_space<vmem>>, vector<1x16xf32>,
      %get3A_281 = vector.shape_cast %get3A_280 : vector<1x16xf32> to vector<16xf32>
      %get3A_282 = arith.index_cast %scan3A_206 : i32 to index
      %get3A_283 = arith.constant 32 : index
      %get3A_284 = tpu.vector_load %arg12[%get3A_282, %get3A_283] {strides = array<i32>} : memref<128x128xf32, #tpu.memory_space<vmem>>, vector<1x16xf32>,
      %get3A_285 = vector.shape_cast %get3A_284 : vector<1x16xf32> to vector<16xf32>
      %get3A_286 = arith.index_cast %scan3A_206 : i32 to index
      %get3A_287 = arith.constant 96 : index
      %get3A_288 = tpu.vector_load %arg12[%get3A_286, %get3A_287] {strides = array<i32>} : memref<128x128xf32, #tpu.memory_space<vmem>>, vector<1x16xf32>,
      %get3A_289 = vector.shape_cast %get3A_288 : vector<1x16xf32> to vector<16xf32>
      %get3A_290 = arith.index_cast %scan3A_206 : i32 to index
      %get3A_291 = arith.constant 32 : index
      %get3A_292 = tpu.vector_load %arg13[%get3A_290, %get3A_291] {strides = array<i32>} : memref<128x128xf32, #tpu.memory_space<vmem>>, vector<1x16xf32>,
      %get3A_293 = vector.shape_cast %get3A_292 : vector<1x16xf32> to vector<16xf32>
      %get3A_294 = arith.index_cast %scan3A_206 : i32 to index
      %get3A_295 = arith.constant 96 : index
      %get3A_296 = tpu.vector_load %arg13[%get3A_294, %get3A_295] {strides = array<i32>} : memref<128x128xf32, #tpu.memory_space<vmem>>, vector<1x16xf32>,
      %get3A_297 = vector.shape_cast %get3A_296 : vector<1x16xf32> to vector<16xf32>
      %mul3A_298 = arith.mulf %get3A_277, %get3A_285 : vector<16xf32>
      %mul3A_299 = arith.mulf %get3A_281, %get3A_289 : vector<16xf32>
      %add3A_300 = arith.addf %mul3A_298, %mul3A_299 : vector<16xf32>
      %mul3A_301 = arith.mulf %get3A_293, %add3A_300 : vector<16xf32>
      %add3A_302 = arith.addf %add3A_273, %mul3A_301 : vector<16xf32>
      %mul3A_303 = arith.mulf %get3A_277, %get3A_289 : vector<16xf32>
      %mul3A_304 = arith.mulf %get3A_281, %get3A_285 : vector<16xf32>
      %sub3A_305 = arith.subf %mul3A_303, %mul3A_304 : vector<16xf32>
      %mul3A_306 = arith.mulf %get3A_297, %sub3A_305 : vector<16xf32>
      %add3A_307 = arith.addf %add3A_302, %mul3A_306 : vector<16xf32>
      %get3A_308 = arith.index_cast %scan3A_206 : i32 to index
      %get3A_309 = arith.constant 48 : index
      %get3A_310 = tpu.vector_load %arg11[%get3A_308, %get3A_309] {strides = array<i32>} : memref<128x128xf32, #tpu.memory_space<vmem>>, vector<1x16xf32>,
      %get3A_311 = vector.shape_cast %get3A_310 : vector<1x16xf32> to vector<16xf32>
      %get3A_312 = arith.index_cast %scan3A_206 : i32 to index
      %get3A_313 = arith.constant 112 : index
      %get3A_314 = tpu.vector_load %arg11[%get3A_312, %get3A_313] {strides = array<i32>} : memref<128x128xf32, #tpu.memory_space<vmem>>, vector<1x16xf32>,
      %get3A_315 = vector.shape_cast %get3A_314 : vector<1x16xf32> to vector<16xf32>
      %get3A_316 = arith.index_cast %scan3A_206 : i32 to index
      %get3A_317 = arith.constant 48 : index
      %get3A_318 = tpu.vector_load %arg12[%get3A_316, %get3A_317] {strides = array<i32>} : memref<128x128xf32, #tpu.memory_space<vmem>>, vector<1x16xf32>,
      %get3A_319 = vector.shape_cast %get3A_318 : vector<1x16xf32> to vector<16xf32>
      %get3A_320 = arith.index_cast %scan3A_206 : i32 to index
      %get3A_321 = arith.constant 112 : index
      %get3A_322 = tpu.vector_load %arg12[%get3A_320, %get3A_321] {strides = array<i32>} : memref<128x128xf32, #tpu.memory_space<vmem>>, vector<1x16xf32>,
      %get3A_323 = vector.shape_cast %get3A_322 : vector<1x16xf32> to vector<16xf32>
      %get3A_324 = arith.index_cast %scan3A_206 : i32 to index
      %get3A_325 = arith.constant 48 : index
      %get3A_326 = tpu.vector_load %arg13[%get3A_324, %get3A_325] {strides = array<i32>} : memref<128x128xf32, #tpu.memory_space<vmem>>, vector<1x16xf32>,
      %get3A_327 = vector.shape_cast %get3A_326 : vector<1x16xf32> to vector<16xf32>
      %get3A_328 = arith.index_cast %scan3A_206 : i32 to index
      %get3A_329 = arith.constant 112 : index
      %get3A_330 = tpu.vector_load %arg13[%get3A_328, %get3A_329] {strides = array<i32>} : memref<128x128xf32, #tpu.memory_space<vmem>>, vector<1x16xf32>,
      %get3A_331 = vector.shape_cast %get3A_330 : vector<1x16xf32> to vector<16xf32>
      %mul3A_332 = arith.mulf %get3A_311, %get3A_319 : vector<16xf32>
      %mul3A_333 = arith.mulf %get3A_315, %get3A_323 : vector<16xf32>
      %add3A_334 = arith.addf %mul3A_332, %mul3A_333 : vector<16xf32>
      %mul3A_335 = arith.mulf %get3A_327, %add3A_334 : vector<16xf32>
      %add3A_336 = arith.addf %add3A_307, %mul3A_335 : vector<16xf32>
      %mul3A_337 = arith.mulf %get3A_311, %get3A_323 : vector<16xf32>
      %mul3A_338 = arith.mulf %get3A_315, %get3A_319 : vector<16xf32>
      %sub3A_339 = arith.subf %mul3A_337, %mul3A_338 : vector<16xf32>
      %mul3A_340 = arith.mulf %get3A_331, %sub3A_339 : vector<16xf32>
      %add3A_341 = arith.addf %add3A_336, %mul3A_340 : vector<16xf32>
      %jit3A = arith.constant 8 : i32
      %div3A = arith.divsi %scan3A_206, %jit3A : i32
      %sign3A = arith.constant 0 : i32
      %sign3A_342 = arith.cmpi sgt, %scan3A_206, %sign3A : i32
      %sign3A_343 = arith.extui %sign3A_342 : i1 to i32
      %sign3A_344 = arith.constant 0 : i32
      %sign3A_345 = arith.cmpi slt, %scan3A_206, %sign3A_344 : i32
      %sign3A_346 = arith.extui %sign3A_345 : i1 to i32
      %sign3A_347 = arith.subi %sign3A_343, %sign3A_346 : i32
      %sign3A_348 = arith.constant 0 : i32
      %sign3A_349 = arith.cmpi sgt, %jit3A, %sign3A_348 : i32
      %sign3A_350 = arith.extui %sign3A_349 : i1 to i32
      %sign3A_351 = arith.constant 0 : i32
      %sign3A_352 = arith.cmpi slt, %jit3A, %sign3A_351 : i32
      %sign3A_353 = arith.extui %sign3A_352 : i1 to i32
      %sign3A_354 = arith.subi %sign3A_350, %sign3A_353 : i32
      %ne3A = arith.cmpi ne, %sign3A_347, %sign3A_354 : i32
      %rem3A = arith.remsi %scan3A_206, %jit3A : i32
      %ne3A_355 = arith.constant 0 : i32
      %ne3A_356 = arith.cmpi ne, %rem3A, %ne3A_355 : i32
      %and3A = arith.andi %ne3A, %ne3A_356 : i1
      %sub3A_357 = arith.constant 1 : i32
      %sub3A_358 = arith.subi %div3A, %sub3A_357 : i32
      %select_n3A = arith.select %and3A, %sub3A_358, %div3A : i32
      %jit3A_359 = arith.constant 8 : i32
      %eq3A = arith.constant 0 : i32
      %eq3A_360 = arith.cmpi eq, %jit3A_359, %eq3A : i32
      %jit3A_361 = arith.constant 1 : i32
      %select_n3A_362 = arith.select %eq3A_360, %jit3A_361, %jit3A_359 : i32
      %rem3A_363 = arith.remsi %scan3A_206, %select_n3A_362 : i32
      %ne3A_364 = arith.constant 0 : i32
      %ne3A_365 = arith.cmpi ne, %rem3A_363, %ne3A_364 : i32
      %lt3A = arith.constant 0 : i32
      %lt3A_366 = arith.cmpi slt, %rem3A_363, %lt3A : i32
      %lt3A_367 = arith.constant 0 : i32
      %lt3A_368 = arith.cmpi slt, %select_n3A_362, %lt3A_367 : i32
      %ne3A_369 = arith.xori %lt3A_366, %lt3A_368 : i1
      %and3A_370 = arith.andi %ne3A_369, %ne3A_365 : i1
      %add3A_371 = arith.addi %rem3A_363, %select_n3A_362 : i32
      %select_n3A_372 = arith.select %and3A_370, %add3A_371, %rem3A_363 : i32
      %mul3A_373 = arith.constant 16 : i32
      %mul3A_374 = arith.muli %select_n3A_372, %mul3A_373 : i32
      %swap3A = arith.index_cast %select_n3A : i32 to index
      %swap3A_375 = arith.index_cast %mul3A_374 : i32 to index
      %swap3A_376 = tpu.vector_load %arg14[%swap3A, %swap3A_375] {strides = array<i32>} : memref<16x128xf32, #tpu.memory_space<vmem>>, vector<1x16xf32>,
      %swap3A_377 = vector.shape_cast %swap3A_376 : vector<1x16xf32> to vector<16xf32>
      %swap3A_378 = vector.shape_cast %add3A_341 : vector<16xf32> to vector<1x16xf32>
      tpu.vector_store %arg14[%swap3A, %swap3A_375], %swap3A_378 {strides = array<i32>} : memref<16x128xf32, #tpu.memory_space<vmem>>, vector<1x16xf32>,
    }
    %scan3A_97 = arith.constant 128 : i32
    %mul3A_98 = arith.constant 64 : i32
    %mul3A_99 = arith.muli %add3A, %mul3A_98 : i32
    %add3A_100 = arith.constant 16 : i32
    %add3A_101 = arith.addi %mul3A_99, %add3A_100 : i32
    "tpu.region"() ({
      %run_scoped3A = tpu.sem_alloc : memref<!tpu.dma_semaphore, #tpu.memory_space<semaphore_mem>>
      %dma_start3A_206 = arith.constant 0 : i32
      %dma_start3A_207 = tpu.memref_slice %arg7[%add3A_101, %dma_start3A_206] : memref<2048x128xf32, #tpu.memory_space<hbm>> -> memref<16x128xf32, #tpu.memory_space<hbm>>
      %dma_start3A_208 = arith.constant 0 : i32
      %dma_start3A_209 = tpu.memref_slice %arg7[%add3A_101, %dma_start3A_208] : memref<2048x128xf32, #tpu.memory_space<hbm>> -> memref<16x128xf32, #tpu.memory_space<hbm>>
      tpu.enqueue_dma source(%arg14 : memref<16x128xf32, #tpu.memory_space<vmem>>) target(%dma_start3A_209 : memref<16x128xf32, #tpu.memory_space<hbm>>) target_semaphore(%run_scoped3A : memref<!tpu.dma_semaphore, #tpu.memory_space<semaphore_mem>>)
      %dma_wait3A_210 = arith.constant 0 : i32
      %dma_wait3A_211 = tpu.memref_slice %arg7[%add3A_101, %dma_wait3A_210] : memref<2048x128xf32, #tpu.memory_space<hbm>> -> memref<16x128xf32, #tpu.memory_space<hbm>>
      %dma_wait3A_212 = arith.constant 0 : i32
      %dma_wait3A_213 = tpu.memref_slice %arg7[%add3A_101, %dma_wait3A_212] : memref<2048x128xf32, #tpu.memory_space<hbm>> -> memref<16x128xf32, #tpu.memory_space<hbm>>
      tpu.wait_dma2 semaphore(%run_scoped3A : memref<!tpu.dma_semaphore, #tpu.memory_space<semaphore_mem>>) src(%arg14 : memref<16x128xf32, #tpu.memory_space<vmem>>) dst(%dma_wait3A_213 : memref<16x128xf32, #tpu.memory_space<hbm>>)
      tpu.yield
    }) : () -> ()
    %dma_start3A_102 = arith.constant 2 : i32
    %dma_start3A_103 = arith.constant 0 : i32
    %dma_start3A_104 = tpu.memref_slice %arg8[%dma_start3A_102, %dma_start3A_103] : memref<4x128xi32, #tpu.memory_space<vmem>> -> memref<1x128xi32, #tpu.memory_space<vmem>>
    %dma_start3A_105 = tpu.memref_squeeze %dma_start3A_104 : memref<1x128xi32, #tpu.memory_space<vmem>> -> memref<128xi32, #tpu.memory_space<vmem>>
    %dma_start3A_106 = arith.constant 0 : i32
    %dma_start3A_107 = arith.constant 0 : i32
    %dma_start3A_108 = tpu.memref_slice %arg5[%dma_start3A_106, %dma_start3A_107] : memref<1000000x128xf32, #tpu.memory_space<hbm>> -> memref<1000000x128xf32, #tpu.memory_space<hbm>>
    tpu.enqueue_indirect_dma source(%dma_start3A_108 : memref<1000000x128xf32, #tpu.memory_space<hbm>>) target(%arg11 : memref<128x128xf32, #tpu.memory_space<vmem>>) offsets(%dma_start3A_105 : memref<128xi32, #tpu.memory_space<vmem>>) semaphore(%arg15 : memref<!tpu.dma_semaphore, #tpu.memory_space<semaphore_mem>>)
    %dma_start3A_109 = arith.constant 2 : i32
    %dma_start3A_110 = arith.constant 0 : i32
    %dma_start3A_111 = tpu.memref_slice %arg10[%dma_start3A_109, %dma_start3A_110] : memref<4x128xi32, #tpu.memory_space<vmem>> -> memref<1x128xi32, #tpu.memory_space<vmem>>
    %dma_start3A_112 = tpu.memref_squeeze %dma_start3A_111 : memref<1x128xi32, #tpu.memory_space<vmem>> -> memref<128xi32, #tpu.memory_space<vmem>>
    %dma_start3A_113 = arith.constant 0 : i32
    %dma_start3A_114 = arith.constant 0 : i32
    %dma_start3A_115 = tpu.memref_slice %arg5[%dma_start3A_113, %dma_start3A_114] : memref<1000000x128xf32, #tpu.memory_space<hbm>> -> memref<1000000x128xf32, #tpu.memory_space<hbm>>
    tpu.enqueue_indirect_dma source(%dma_start3A_115 : memref<1000000x128xf32, #tpu.memory_space<hbm>>) target(%arg12 : memref<128x128xf32, #tpu.memory_space<vmem>>) offsets(%dma_start3A_112 : memref<128xi32, #tpu.memory_space<vmem>>) semaphore(%arg15 : memref<!tpu.dma_semaphore, #tpu.memory_space<semaphore_mem>>)
    %dma_start3A_116 = arith.constant 2 : i32
    %dma_start3A_117 = arith.constant 0 : i32
    %dma_start3A_118 = tpu.memref_slice %arg9[%dma_start3A_116, %dma_start3A_117] : memref<4x128xi32, #tpu.memory_space<vmem>> -> memref<1x128xi32, #tpu.memory_space<vmem>>
    %dma_start3A_119 = tpu.memref_squeeze %dma_start3A_118 : memref<1x128xi32, #tpu.memory_space<vmem>> -> memref<128xi32, #tpu.memory_space<vmem>>
    %dma_start3A_120 = arith.constant 0 : i32
    %dma_start3A_121 = arith.constant 0 : i32
    %dma_start3A_122 = tpu.memref_slice %arg6[%dma_start3A_120, %dma_start3A_121] : memref<1000x128xf32, #tpu.memory_space<hbm>> -> memref<1000x128xf32, #tpu.memory_space<hbm>>
    tpu.enqueue_indirect_dma source(%dma_start3A_122 : memref<1000x128xf32, #tpu.memory_space<hbm>>) target(%arg13 : memref<128x128xf32, #tpu.memory_space<vmem>>) offsets(%dma_start3A_119 : memref<128xi32, #tpu.memory_space<vmem>>) semaphore(%arg15 : memref<!tpu.dma_semaphore, #tpu.memory_space<semaphore_mem>>)
    %dma_wait3A_123 = arith.constant 2 : i32
    %dma_wait3A_124 = arith.constant 0 : i32
    %dma_wait3A_125 = tpu.memref_slice %arg8[%dma_wait3A_123, %dma_wait3A_124] : memref<4x128xi32, #tpu.memory_space<vmem>> -> memref<1x128xi32, #tpu.memory_space<vmem>>
    %dma_wait3A_126 = tpu.memref_squeeze %dma_wait3A_125 : memref<1x128xi32, #tpu.memory_space<vmem>> -> memref<128xi32, #tpu.memory_space<vmem>>
    %dma_wait3A_127 = arith.constant 0 : i32
    %dma_wait3A_128 = arith.constant 0 : i32
    %dma_wait3A_129 = tpu.memref_slice %arg5[%dma_wait3A_127, %dma_wait3A_128] : memref<1000000x128xf32, #tpu.memory_space<hbm>> -> memref<1000000x128xf32, #tpu.memory_space<hbm>>
    tpu.wait_indirect_dma semaphore(%arg15 : memref<!tpu.dma_semaphore, #tpu.memory_space<semaphore_mem>>) src(%dma_wait3A_129 : memref<1000000x128xf32, #tpu.memory_space<hbm>>) dst(%arg11 : memref<128x128xf32, #tpu.memory_space<vmem>>)
    %dma_wait3A_130 = arith.constant 2 : i32
    %dma_wait3A_131 = arith.constant 0 : i32
    %dma_wait3A_132 = tpu.memref_slice %arg10[%dma_wait3A_130, %dma_wait3A_131] : memref<4x128xi32, #tpu.memory_space<vmem>> -> memref<1x128xi32, #tpu.memory_space<vmem>>
    %dma_wait3A_133 = tpu.memref_squeeze %dma_wait3A_132 : memref<1x128xi32, #tpu.memory_space<vmem>> -> memref<128xi32, #tpu.memory_space<vmem>>
    %dma_wait3A_134 = arith.constant 0 : i32
    %dma_wait3A_135 = arith.constant 0 : i32
    %dma_wait3A_136 = tpu.memref_slice %arg5[%dma_wait3A_134, %dma_wait3A_135] : memref<1000000x128xf32, #tpu.memory_space<hbm>> -> memref<1000000x128xf32, #tpu.memory_space<hbm>>
    tpu.wait_indirect_dma semaphore(%arg15 : memref<!tpu.dma_semaphore, #tpu.memory_space<semaphore_mem>>) src(%dma_wait3A_136 : memref<1000000x128xf32, #tpu.memory_space<hbm>>) dst(%arg12 : memref<128x128xf32, #tpu.memory_space<vmem>>)
    %dma_wait3A_137 = arith.constant 2 : i32
    %dma_wait3A_138 = arith.constant 0 : i32
    %dma_wait3A_139 = tpu.memref_slice %arg9[%dma_wait3A_137, %dma_wait3A_138] : memref<4x128xi32, #tpu.memory_space<vmem>> -> memref<1x128xi32, #tpu.memory_space<vmem>>
    %dma_wait3A_140 = tpu.memref_squeeze %dma_wait3A_139 : memref<1x128xi32, #tpu.memory_space<vmem>> -> memref<128xi32, #tpu.memory_space<vmem>>
    %dma_wait3A_141 = arith.constant 0 : i32
    %dma_wait3A_142 = arith.constant 0 : i32
    %dma_wait3A_143 = tpu.memref_slice %arg6[%dma_wait3A_141, %dma_wait3A_142] : memref<1000x128xf32, #tpu.memory_space<hbm>> -> memref<1000x128xf32, #tpu.memory_space<hbm>>
    tpu.wait_indirect_dma semaphore(%arg15 : memref<!tpu.dma_semaphore, #tpu.memory_space<semaphore_mem>>) src(%dma_wait3A_143 : memref<1000x128xf32, #tpu.memory_space<hbm>>) dst(%arg13 : memref<128x128xf32, #tpu.memory_space<vmem>>)
    %scan3A_144 = arith.constant 0 : i32
    %scan3A_145 = arith.constant 0 : i32
    %scan3A_146 = arith.constant 128 : i32
    %scan3A_147 = arith.addi %scan3A_145, %scan3A_146 : i32
    %scan3A_148 = arith.constant 1 : i32
    scf.for %scan3A_206 = %scan3A_145 to %scan3A_147 step %scan3A_148  : i32 {
      %broadcast_in_dim3A = arith.constant 0.000000e+00 : f32
      %broadcast_in_dim3A_207 = vector.broadcast %broadcast_in_dim3A : f32 to vector<16xf32>
      %get3A = arith.index_cast %scan3A_206 : i32 to index
      %get3A_208 = arith.constant 0 : index
      %get3A_209 = tpu.vector_load %arg11[%get3A, %get3A_208] {strides = array<i32>} : memref<128x128xf32, #tpu.memory_space<vmem>>, vector<1x16xf32>,
      %get3A_210 = vector.shape_cast %get3A_209 : vector<1x16xf32> to vector<16xf32>
      %get3A_211 = arith.index_cast %scan3A_206 : i32 to index
      %get3A_212 = arith.constant 64 : index
      %get3A_213 = tpu.vector_load %arg11[%get3A_211, %get3A_212] {strides = array<i32>} : memref<128x128xf32, #tpu.memory_space<vmem>>, vector<1x16xf32>,
      %get3A_214 = vector.shape_cast %get3A_213 : vector<1x16xf32> to vector<16xf32>
      %get3A_215 = arith.index_cast %scan3A_206 : i32 to index
      %get3A_216 = arith.constant 0 : index
      %get3A_217 = tpu.vector_load %arg12[%get3A_215, %get3A_216] {strides = array<i32>} : memref<128x128xf32, #tpu.memory_space<vmem>>, vector<1x16xf32>,
      %get3A_218 = vector.shape_cast %get3A_217 : vector<1x16xf32> to vector<16xf32>
      %get3A_219 = arith.index_cast %scan3A_206 : i32 to index
      %get3A_220 = arith.constant 64 : index
      %get3A_221 = tpu.vector_load %arg12[%get3A_219, %get3A_220] {strides = array<i32>} : memref<128x128xf32, #tpu.memory_space<vmem>>, vector<1x16xf32>,
      %get3A_222 = vector.shape_cast %get3A_221 : vector<1x16xf32> to vector<16xf32>
      %get3A_223 = arith.index_cast %scan3A_206 : i32 to index
      %get3A_224 = arith.constant 0 : index
      %get3A_225 = tpu.vector_load %arg13[%get3A_223, %get3A_224] {strides = array<i32>} : memref<128x128xf32, #tpu.memory_space<vmem>>, vector<1x16xf32>,
      %get3A_226 = vector.shape_cast %get3A_225 : vector<1x16xf32> to vector<16xf32>
      %get3A_227 = arith.index_cast %scan3A_206 : i32 to index
      %get3A_228 = arith.constant 64 : index
      %get3A_229 = tpu.vector_load %arg13[%get3A_227, %get3A_228] {strides = array<i32>} : memref<128x128xf32, #tpu.memory_space<vmem>>, vector<1x16xf32>,
      %get3A_230 = vector.shape_cast %get3A_229 : vector<1x16xf32> to vector<16xf32>
      %mul3A_231 = arith.mulf %get3A_210, %get3A_218 : vector<16xf32>
      %mul3A_232 = arith.mulf %get3A_214, %get3A_222 : vector<16xf32>
      %add3A_233 = arith.addf %mul3A_231, %mul3A_232 : vector<16xf32>
      %mul3A_234 = arith.mulf %get3A_226, %add3A_233 : vector<16xf32>
      %add3A_235 = arith.addf %broadcast_in_dim3A_207, %mul3A_234 : vector<16xf32>
      %mul3A_236 = arith.mulf %get3A_210, %get3A_222 : vector<16xf32>
      %mul3A_237 = arith.mulf %get3A_214, %get3A_218 : vector<16xf32>
      %sub3A = arith.subf %mul3A_236, %mul3A_237 : vector<16xf32>
      %mul3A_238 = arith.mulf %get3A_230, %sub3A : vector<16xf32>
      %add3A_239 = arith.addf %add3A_235, %mul3A_238 : vector<16xf32>
      %get3A_240 = arith.index_cast %scan3A_206 : i32 to index
      %get3A_241 = arith.constant 16 : index
      %get3A_242 = tpu.vector_load %arg11[%get3A_240, %get3A_241] {strides = array<i32>} : memref<128x128xf32, #tpu.memory_space<vmem>>, vector<1x16xf32>,
      %get3A_243 = vector.shape_cast %get3A_242 : vector<1x16xf32> to vector<16xf32>
      %get3A_244 = arith.index_cast %scan3A_206 : i32 to index
      %get3A_245 = arith.constant 80 : index
      %get3A_246 = tpu.vector_load %arg11[%get3A_244, %get3A_245] {strides = array<i32>} : memref<128x128xf32, #tpu.memory_space<vmem>>, vector<1x16xf32>,
      %get3A_247 = vector.shape_cast %get3A_246 : vector<1x16xf32> to vector<16xf32>
      %get3A_248 = arith.index_cast %scan3A_206 : i32 to index
      %get3A_249 = arith.constant 16 : index
      %get3A_250 = tpu.vector_load %arg12[%get3A_248, %get3A_249] {strides = array<i32>} : memref<128x128xf32, #tpu.memory_space<vmem>>, vector<1x16xf32>,
      %get3A_251 = vector.shape_cast %get3A_250 : vector<1x16xf32> to vector<16xf32>
      %get3A_252 = arith.index_cast %scan3A_206 : i32 to index
      %get3A_253 = arith.constant 80 : index
      %get3A_254 = tpu.vector_load %arg12[%get3A_252, %get3A_253] {strides = array<i32>} : memref<128x128xf32, #tpu.memory_space<vmem>>, vector<1x16xf32>,
      %get3A_255 = vector.shape_cast %get3A_254 : vector<1x16xf32> to vector<16xf32>
      %get3A_256 = arith.index_cast %scan3A_206 : i32 to index
      %get3A_257 = arith.constant 16 : index
      %get3A_258 = tpu.vector_load %arg13[%get3A_256, %get3A_257] {strides = array<i32>} : memref<128x128xf32, #tpu.memory_space<vmem>>, vector<1x16xf32>,
      %get3A_259 = vector.shape_cast %get3A_258 : vector<1x16xf32> to vector<16xf32>
      %get3A_260 = arith.index_cast %scan3A_206 : i32 to index
      %get3A_261 = arith.constant 80 : index
      %get3A_262 = tpu.vector_load %arg13[%get3A_260, %get3A_261] {strides = array<i32>} : memref<128x128xf32, #tpu.memory_space<vmem>>, vector<1x16xf32>,
      %get3A_263 = vector.shape_cast %get3A_262 : vector<1x16xf32> to vector<16xf32>
      %mul3A_264 = arith.mulf %get3A_243, %get3A_251 : vector<16xf32>
      %mul3A_265 = arith.mulf %get3A_247, %get3A_255 : vector<16xf32>
      %add3A_266 = arith.addf %mul3A_264, %mul3A_265 : vector<16xf32>
      %mul3A_267 = arith.mulf %get3A_259, %add3A_266 : vector<16xf32>
      %add3A_268 = arith.addf %add3A_239, %mul3A_267 : vector<16xf32>
      %mul3A_269 = arith.mulf %get3A_243, %get3A_255 : vector<16xf32>
      %mul3A_270 = arith.mulf %get3A_247, %get3A_251 : vector<16xf32>
      %sub3A_271 = arith.subf %mul3A_269, %mul3A_270 : vector<16xf32>
      %mul3A_272 = arith.mulf %get3A_263, %sub3A_271 : vector<16xf32>
      %add3A_273 = arith.addf %add3A_268, %mul3A_272 : vector<16xf32>
      %get3A_274 = arith.index_cast %scan3A_206 : i32 to index
      %get3A_275 = arith.constant 32 : index
      %get3A_276 = tpu.vector_load %arg11[%get3A_274, %get3A_275] {strides = array<i32>} : memref<128x128xf32, #tpu.memory_space<vmem>>, vector<1x16xf32>,
      %get3A_277 = vector.shape_cast %get3A_276 : vector<1x16xf32> to vector<16xf32>
      %get3A_278 = arith.index_cast %scan3A_206 : i32 to index
      %get3A_279 = arith.constant 96 : index
      %get3A_280 = tpu.vector_load %arg11[%get3A_278, %get3A_279] {strides = array<i32>} : memref<128x128xf32, #tpu.memory_space<vmem>>, vector<1x16xf32>,
      %get3A_281 = vector.shape_cast %get3A_280 : vector<1x16xf32> to vector<16xf32>
      %get3A_282 = arith.index_cast %scan3A_206 : i32 to index
      %get3A_283 = arith.constant 32 : index
      %get3A_284 = tpu.vector_load %arg12[%get3A_282, %get3A_283] {strides = array<i32>} : memref<128x128xf32, #tpu.memory_space<vmem>>, vector<1x16xf32>,
      %get3A_285 = vector.shape_cast %get3A_284 : vector<1x16xf32> to vector<16xf32>
      %get3A_286 = arith.index_cast %scan3A_206 : i32 to index
      %get3A_287 = arith.constant 96 : index
      %get3A_288 = tpu.vector_load %arg12[%get3A_286, %get3A_287] {strides = array<i32>} : memref<128x128xf32, #tpu.memory_space<vmem>>, vector<1x16xf32>,
      %get3A_289 = vector.shape_cast %get3A_288 : vector<1x16xf32> to vector<16xf32>
      %get3A_290 = arith.index_cast %scan3A_206 : i32 to index
      %get3A_291 = arith.constant 32 : index
      %get3A_292 = tpu.vector_load %arg13[%get3A_290, %get3A_291] {strides = array<i32>} : memref<128x128xf32, #tpu.memory_space<vmem>>, vector<1x16xf32>,
      %get3A_293 = vector.shape_cast %get3A_292 : vector<1x16xf32> to vector<16xf32>
      %get3A_294 = arith.index_cast %scan3A_206 : i32 to index
      %get3A_295 = arith.constant 96 : index
      %get3A_296 = tpu.vector_load %arg13[%get3A_294, %get3A_295] {strides = array<i32>} : memref<128x128xf32, #tpu.memory_space<vmem>>, vector<1x16xf32>,
      %get3A_297 = vector.shape_cast %get3A_296 : vector<1x16xf32> to vector<16xf32>
      %mul3A_298 = arith.mulf %get3A_277, %get3A_285 : vector<16xf32>
      %mul3A_299 = arith.mulf %get3A_281, %get3A_289 : vector<16xf32>
      %add3A_300 = arith.addf %mul3A_298, %mul3A_299 : vector<16xf32>
      %mul3A_301 = arith.mulf %get3A_293, %add3A_300 : vector<16xf32>
      %add3A_302 = arith.addf %add3A_273, %mul3A_301 : vector<16xf32>
      %mul3A_303 = arith.mulf %get3A_277, %get3A_289 : vector<16xf32>
      %mul3A_304 = arith.mulf %get3A_281, %get3A_285 : vector<16xf32>
      %sub3A_305 = arith.subf %mul3A_303, %mul3A_304 : vector<16xf32>
      %mul3A_306 = arith.mulf %get3A_297, %sub3A_305 : vector<16xf32>
      %add3A_307 = arith.addf %add3A_302, %mul3A_306 : vector<16xf32>
      %get3A_308 = arith.index_cast %scan3A_206 : i32 to index
      %get3A_309 = arith.constant 48 : index
      %get3A_310 = tpu.vector_load %arg11[%get3A_308, %get3A_309] {strides = array<i32>} : memref<128x128xf32, #tpu.memory_space<vmem>>, vector<1x16xf32>,
      %get3A_311 = vector.shape_cast %get3A_310 : vector<1x16xf32> to vector<16xf32>
      %get3A_312 = arith.index_cast %scan3A_206 : i32 to index
      %get3A_313 = arith.constant 112 : index
      %get3A_314 = tpu.vector_load %arg11[%get3A_312, %get3A_313] {strides = array<i32>} : memref<128x128xf32, #tpu.memory_space<vmem>>, vector<1x16xf32>,
      %get3A_315 = vector.shape_cast %get3A_314 : vector<1x16xf32> to vector<16xf32>
      %get3A_316 = arith.index_cast %scan3A_206 : i32 to index
      %get3A_317 = arith.constant 48 : index
      %get3A_318 = tpu.vector_load %arg12[%get3A_316, %get3A_317] {strides = array<i32>} : memref<128x128xf32, #tpu.memory_space<vmem>>, vector<1x16xf32>,
      %get3A_319 = vector.shape_cast %get3A_318 : vector<1x16xf32> to vector<16xf32>
      %get3A_320 = arith.index_cast %scan3A_206 : i32 to index
      %get3A_321 = arith.constant 112 : index
      %get3A_322 = tpu.vector_load %arg12[%get3A_320, %get3A_321] {strides = array<i32>} : memref<128x128xf32, #tpu.memory_space<vmem>>, vector<1x16xf32>,
      %get3A_323 = vector.shape_cast %get3A_322 : vector<1x16xf32> to vector<16xf32>
      %get3A_324 = arith.index_cast %scan3A_206 : i32 to index
      %get3A_325 = arith.constant 48 : index
      %get3A_326 = tpu.vector_load %arg13[%get3A_324, %get3A_325] {strides = array<i32>} : memref<128x128xf32, #tpu.memory_space<vmem>>, vector<1x16xf32>,
      %get3A_327 = vector.shape_cast %get3A_326 : vector<1x16xf32> to vector<16xf32>
      %get3A_328 = arith.index_cast %scan3A_206 : i32 to index
      %get3A_329 = arith.constant 112 : index
      %get3A_330 = tpu.vector_load %arg13[%get3A_328, %get3A_329] {strides = array<i32>} : memref<128x128xf32, #tpu.memory_space<vmem>>, vector<1x16xf32>,
      %get3A_331 = vector.shape_cast %get3A_330 : vector<1x16xf32> to vector<16xf32>
      %mul3A_332 = arith.mulf %get3A_311, %get3A_319 : vector<16xf32>
      %mul3A_333 = arith.mulf %get3A_315, %get3A_323 : vector<16xf32>
      %add3A_334 = arith.addf %mul3A_332, %mul3A_333 : vector<16xf32>
      %mul3A_335 = arith.mulf %get3A_327, %add3A_334 : vector<16xf32>
      %add3A_336 = arith.addf %add3A_307, %mul3A_335 : vector<16xf32>
      %mul3A_337 = arith.mulf %get3A_311, %get3A_323 : vector<16xf32>
      %mul3A_338 = arith.mulf %get3A_315, %get3A_319 : vector<16xf32>
      %sub3A_339 = arith.subf %mul3A_337, %mul3A_338 : vector<16xf32>
      %mul3A_340 = arith.mulf %get3A_331, %sub3A_339 : vector<16xf32>
      %add3A_341 = arith.addf %add3A_336, %mul3A_340 : vector<16xf32>
      %jit3A = arith.constant 8 : i32
      %div3A = arith.divsi %scan3A_206, %jit3A : i32
      %sign3A = arith.constant 0 : i32
      %sign3A_342 = arith.cmpi sgt, %scan3A_206, %sign3A : i32
      %sign3A_343 = arith.extui %sign3A_342 : i1 to i32
      %sign3A_344 = arith.constant 0 : i32
      %sign3A_345 = arith.cmpi slt, %scan3A_206, %sign3A_344 : i32
      %sign3A_346 = arith.extui %sign3A_345 : i1 to i32
      %sign3A_347 = arith.subi %sign3A_343, %sign3A_346 : i32
      %sign3A_348 = arith.constant 0 : i32
      %sign3A_349 = arith.cmpi sgt, %jit3A, %sign3A_348 : i32
      %sign3A_350 = arith.extui %sign3A_349 : i1 to i32
      %sign3A_351 = arith.constant 0 : i32
      %sign3A_352 = arith.cmpi slt, %jit3A, %sign3A_351 : i32
      %sign3A_353 = arith.extui %sign3A_352 : i1 to i32
      %sign3A_354 = arith.subi %sign3A_350, %sign3A_353 : i32
      %ne3A = arith.cmpi ne, %sign3A_347, %sign3A_354 : i32
      %rem3A = arith.remsi %scan3A_206, %jit3A : i32
      %ne3A_355 = arith.constant 0 : i32
      %ne3A_356 = arith.cmpi ne, %rem3A, %ne3A_355 : i32
      %and3A = arith.andi %ne3A, %ne3A_356 : i1
      %sub3A_357 = arith.constant 1 : i32
      %sub3A_358 = arith.subi %div3A, %sub3A_357 : i32
      %select_n3A = arith.select %and3A, %sub3A_358, %div3A : i32
      %jit3A_359 = arith.constant 8 : i32
      %eq3A = arith.constant 0 : i32
      %eq3A_360 = arith.cmpi eq, %jit3A_359, %eq3A : i32
      %jit3A_361 = arith.constant 1 : i32
      %select_n3A_362 = arith.select %eq3A_360, %jit3A_361, %jit3A_359 : i32
      %rem3A_363 = arith.remsi %scan3A_206, %select_n3A_362 : i32
      %ne3A_364 = arith.constant 0 : i32
      %ne3A_365 = arith.cmpi ne, %rem3A_363, %ne3A_364 : i32
      %lt3A = arith.constant 0 : i32
      %lt3A_366 = arith.cmpi slt, %rem3A_363, %lt3A : i32
      %lt3A_367 = arith.constant 0 : i32
      %lt3A_368 = arith.cmpi slt, %select_n3A_362, %lt3A_367 : i32
      %ne3A_369 = arith.xori %lt3A_366, %lt3A_368 : i1
      %and3A_370 = arith.andi %ne3A_369, %ne3A_365 : i1
      %add3A_371 = arith.addi %rem3A_363, %select_n3A_362 : i32
      %select_n3A_372 = arith.select %and3A_370, %add3A_371, %rem3A_363 : i32
      %mul3A_373 = arith.constant 16 : i32
      %mul3A_374 = arith.muli %select_n3A_372, %mul3A_373 : i32
      %swap3A = arith.index_cast %select_n3A : i32 to index
      %swap3A_375 = arith.index_cast %mul3A_374 : i32 to index
      %swap3A_376 = tpu.vector_load %arg14[%swap3A, %swap3A_375] {strides = array<i32>} : memref<16x128xf32, #tpu.memory_space<vmem>>, vector<1x16xf32>,
      %swap3A_377 = vector.shape_cast %swap3A_376 : vector<1x16xf32> to vector<16xf32>
      %swap3A_378 = vector.shape_cast %add3A_341 : vector<16xf32> to vector<1x16xf32>
      tpu.vector_store %arg14[%swap3A, %swap3A_375], %swap3A_378 {strides = array<i32>} : memref<16x128xf32, #tpu.memory_space<vmem>>, vector<1x16xf32>,
    }
    %scan3A_149 = arith.constant 128 : i32
    %mul3A_150 = arith.constant 64 : i32
    %mul3A_151 = arith.muli %add3A, %mul3A_150 : i32
    %add3A_152 = arith.constant 32 : i32
    %add3A_153 = arith.addi %mul3A_151, %add3A_152 : i32
    "tpu.region"() ({
      %run_scoped3A = tpu.sem_alloc : memref<!tpu.dma_semaphore, #tpu.memory_space<semaphore_mem>>
      %dma_start3A_206 = arith.constant 0 : i32
      %dma_start3A_207 = tpu.memref_slice %arg7[%add3A_153, %dma_start3A_206] : memref<2048x128xf32, #tpu.memory_space<hbm>> -> memref<16x128xf32, #tpu.memory_space<hbm>>
      %dma_start3A_208 = arith.constant 0 : i32
      %dma_start3A_209 = tpu.memref_slice %arg7[%add3A_153, %dma_start3A_208] : memref<2048x128xf32, #tpu.memory_space<hbm>> -> memref<16x128xf32, #tpu.memory_space<hbm>>
      tpu.enqueue_dma source(%arg14 : memref<16x128xf32, #tpu.memory_space<vmem>>) target(%dma_start3A_209 : memref<16x128xf32, #tpu.memory_space<hbm>>) target_semaphore(%run_scoped3A : memref<!tpu.dma_semaphore, #tpu.memory_space<semaphore_mem>>)
      %dma_wait3A_210 = arith.constant 0 : i32
      %dma_wait3A_211 = tpu.memref_slice %arg7[%add3A_153, %dma_wait3A_210] : memref<2048x128xf32, #tpu.memory_space<hbm>> -> memref<16x128xf32, #tpu.memory_space<hbm>>
      %dma_wait3A_212 = arith.constant 0 : i32
      %dma_wait3A_213 = tpu.memref_slice %arg7[%add3A_153, %dma_wait3A_212] : memref<2048x128xf32, #tpu.memory_space<hbm>> -> memref<16x128xf32, #tpu.memory_space<hbm>>
      tpu.wait_dma2 semaphore(%run_scoped3A : memref<!tpu.dma_semaphore, #tpu.memory_space<semaphore_mem>>) src(%arg14 : memref<16x128xf32, #tpu.memory_space<vmem>>) dst(%dma_wait3A_213 : memref<16x128xf32, #tpu.memory_space<hbm>>)
      tpu.yield
    }) : () -> ()
    %dma_start3A_154 = arith.constant 3 : i32
    %dma_start3A_155 = arith.constant 0 : i32
    %dma_start3A_156 = tpu.memref_slice %arg8[%dma_start3A_154, %dma_start3A_155] : memref<4x128xi32, #tpu.memory_space<vmem>> -> memref<1x128xi32, #tpu.memory_space<vmem>>
    %dma_start3A_157 = tpu.memref_squeeze %dma_start3A_156 : memref<1x128xi32, #tpu.memory_space<vmem>> -> memref<128xi32, #tpu.memory_space<vmem>>
    %dma_start3A_158 = arith.constant 0 : i32
    %dma_start3A_159 = arith.constant 0 : i32
    %dma_start3A_160 = tpu.memref_slice %arg5[%dma_start3A_158, %dma_start3A_159] : memref<1000000x128xf32, #tpu.memory_space<hbm>> -> memref<1000000x128xf32, #tpu.memory_space<hbm>>
    tpu.enqueue_indirect_dma source(%dma_start3A_160 : memref<1000000x128xf32, #tpu.memory_space<hbm>>) target(%arg11 : memref<128x128xf32, #tpu.memory_space<vmem>>) offsets(%dma_start3A_157 : memref<128xi32, #tpu.memory_space<vmem>>) semaphore(%arg15 : memref<!tpu.dma_semaphore, #tpu.memory_space<semaphore_mem>>)
    %dma_start3A_161 = arith.constant 3 : i32
    %dma_start3A_162 = arith.constant 0 : i32
    %dma_start3A_163 = tpu.memref_slice %arg10[%dma_start3A_161, %dma_start3A_162] : memref<4x128xi32, #tpu.memory_space<vmem>> -> memref<1x128xi32, #tpu.memory_space<vmem>>
    %dma_start3A_164 = tpu.memref_squeeze %dma_start3A_163 : memref<1x128xi32, #tpu.memory_space<vmem>> -> memref<128xi32, #tpu.memory_space<vmem>>
    %dma_start3A_165 = arith.constant 0 : i32
    %dma_start3A_166 = arith.constant 0 : i32
    %dma_start3A_167 = tpu.memref_slice %arg5[%dma_start3A_165, %dma_start3A_166] : memref<1000000x128xf32, #tpu.memory_space<hbm>> -> memref<1000000x128xf32, #tpu.memory_space<hbm>>
    tpu.enqueue_indirect_dma source(%dma_start3A_167 : memref<1000000x128xf32, #tpu.memory_space<hbm>>) target(%arg12 : memref<128x128xf32, #tpu.memory_space<vmem>>) offsets(%dma_start3A_164 : memref<128xi32, #tpu.memory_space<vmem>>) semaphore(%arg15 : memref<!tpu.dma_semaphore, #tpu.memory_space<semaphore_mem>>)
    %dma_start3A_168 = arith.constant 3 : i32
    %dma_start3A_169 = arith.constant 0 : i32
    %dma_start3A_170 = tpu.memref_slice %arg9[%dma_start3A_168, %dma_start3A_169] : memref<4x128xi32, #tpu.memory_space<vmem>> -> memref<1x128xi32, #tpu.memory_space<vmem>>
    %dma_start3A_171 = tpu.memref_squeeze %dma_start3A_170 : memref<1x128xi32, #tpu.memory_space<vmem>> -> memref<128xi32, #tpu.memory_space<vmem>>
    %dma_start3A_172 = arith.constant 0 : i32
    %dma_start3A_173 = arith.constant 0 : i32
    %dma_start3A_174 = tpu.memref_slice %arg6[%dma_start3A_172, %dma_start3A_173] : memref<1000x128xf32, #tpu.memory_space<hbm>> -> memref<1000x128xf32, #tpu.memory_space<hbm>>
    tpu.enqueue_indirect_dma source(%dma_start3A_174 : memref<1000x128xf32, #tpu.memory_space<hbm>>) target(%arg13 : memref<128x128xf32, #tpu.memory_space<vmem>>) offsets(%dma_start3A_171 : memref<128xi32, #tpu.memory_space<vmem>>) semaphore(%arg15 : memref<!tpu.dma_semaphore, #tpu.memory_space<semaphore_mem>>)
    %dma_wait3A_175 = arith.constant 3 : i32
    %dma_wait3A_176 = arith.constant 0 : i32
    %dma_wait3A_177 = tpu.memref_slice %arg8[%dma_wait3A_175, %dma_wait3A_176] : memref<4x128xi32, #tpu.memory_space<vmem>> -> memref<1x128xi32, #tpu.memory_space<vmem>>
    %dma_wait3A_178 = tpu.memref_squeeze %dma_wait3A_177 : memref<1x128xi32, #tpu.memory_space<vmem>> -> memref<128xi32, #tpu.memory_space<vmem>>
    %dma_wait3A_179 = arith.constant 0 : i32
    %dma_wait3A_180 = arith.constant 0 : i32
    %dma_wait3A_181 = tpu.memref_slice %arg5[%dma_wait3A_179, %dma_wait3A_180] : memref<1000000x128xf32, #tpu.memory_space<hbm>> -> memref<1000000x128xf32, #tpu.memory_space<hbm>>
    tpu.wait_indirect_dma semaphore(%arg15 : memref<!tpu.dma_semaphore, #tpu.memory_space<semaphore_mem>>) src(%dma_wait3A_181 : memref<1000000x128xf32, #tpu.memory_space<hbm>>) dst(%arg11 : memref<128x128xf32, #tpu.memory_space<vmem>>)
    %dma_wait3A_182 = arith.constant 3 : i32
    %dma_wait3A_183 = arith.constant 0 : i32
    %dma_wait3A_184 = tpu.memref_slice %arg10[%dma_wait3A_182, %dma_wait3A_183] : memref<4x128xi32, #tpu.memory_space<vmem>> -> memref<1x128xi32, #tpu.memory_space<vmem>>
    %dma_wait3A_185 = tpu.memref_squeeze %dma_wait3A_184 : memref<1x128xi32, #tpu.memory_space<vmem>> -> memref<128xi32, #tpu.memory_space<vmem>>
    %dma_wait3A_186 = arith.constant 0 : i32
    %dma_wait3A_187 = arith.constant 0 : i32
    %dma_wait3A_188 = tpu.memref_slice %arg5[%dma_wait3A_186, %dma_wait3A_187] : memref<1000000x128xf32, #tpu.memory_space<hbm>> -> memref<1000000x128xf32, #tpu.memory_space<hbm>>
    tpu.wait_indirect_dma semaphore(%arg15 : memref<!tpu.dma_semaphore, #tpu.memory_space<semaphore_mem>>) src(%dma_wait3A_188 : memref<1000000x128xf32, #tpu.memory_space<hbm>>) dst(%arg12 : memref<128x128xf32, #tpu.memory_space<vmem>>)
    %dma_wait3A_189 = arith.constant 3 : i32
    %dma_wait3A_190 = arith.constant 0 : i32
    %dma_wait3A_191 = tpu.memref_slice %arg9[%dma_wait3A_189, %dma_wait3A_190] : memref<4x128xi32, #tpu.memory_space<vmem>> -> memref<1x128xi32, #tpu.memory_space<vmem>>
    %dma_wait3A_192 = tpu.memref_squeeze %dma_wait3A_191 : memref<1x128xi32, #tpu.memory_space<vmem>> -> memref<128xi32, #tpu.memory_space<vmem>>
    %dma_wait3A_193 = arith.constant 0 : i32
    %dma_wait3A_194 = arith.constant 0 : i32
    %dma_wait3A_195 = tpu.memref_slice %arg6[%dma_wait3A_193, %dma_wait3A_194] : memref<1000x128xf32, #tpu.memory_space<hbm>> -> memref<1000x128xf32, #tpu.memory_space<hbm>>
    tpu.wait_indirect_dma semaphore(%arg15 : memref<!tpu.dma_semaphore, #tpu.memory_space<semaphore_mem>>) src(%dma_wait3A_195 : memref<1000x128xf32, #tpu.memory_space<hbm>>) dst(%arg13 : memref<128x128xf32, #tpu.memory_space<vmem>>)
    %scan3A_196 = arith.constant 0 : i32
    %scan3A_197 = arith.constant 0 : i32
    %scan3A_198 = arith.constant 128 : i32
    %scan3A_199 = arith.addi %scan3A_197, %scan3A_198 : i32
    %scan3A_200 = arith.constant 1 : i32
    scf.for %scan3A_206 = %scan3A_197 to %scan3A_199 step %scan3A_200  : i32 {
      %broadcast_in_dim3A = arith.constant 0.000000e+00 : f32
      %broadcast_in_dim3A_207 = vector.broadcast %broadcast_in_dim3A : f32 to vector<16xf32>
      %get3A = arith.index_cast %scan3A_206 : i32 to index
      %get3A_208 = arith.constant 0 : index
      %get3A_209 = tpu.vector_load %arg11[%get3A, %get3A_208] {strides = array<i32>} : memref<128x128xf32, #tpu.memory_space<vmem>>, vector<1x16xf32>,
      %get3A_210 = vector.shape_cast %get3A_209 : vector<1x16xf32> to vector<16xf32>
      %get3A_211 = arith.index_cast %scan3A_206 : i32 to index
      %get3A_212 = arith.constant 64 : index
      %get3A_213 = tpu.vector_load %arg11[%get3A_211, %get3A_212] {strides = array<i32>} : memref<128x128xf32, #tpu.memory_space<vmem>>, vector<1x16xf32>,
      %get3A_214 = vector.shape_cast %get3A_213 : vector<1x16xf32> to vector<16xf32>
      %get3A_215 = arith.index_cast %scan3A_206 : i32 to index
      %get3A_216 = arith.constant 0 : index
      %get3A_217 = tpu.vector_load %arg12[%get3A_215, %get3A_216] {strides = array<i32>} : memref<128x128xf32, #tpu.memory_space<vmem>>, vector<1x16xf32>,
      %get3A_218 = vector.shape_cast %get3A_217 : vector<1x16xf32> to vector<16xf32>
      %get3A_219 = arith.index_cast %scan3A_206 : i32 to index
      %get3A_220 = arith.constant 64 : index
      %get3A_221 = tpu.vector_load %arg12[%get3A_219, %get3A_220] {strides = array<i32>} : memref<128x128xf32, #tpu.memory_space<vmem>>, vector<1x16xf32>,
      %get3A_222 = vector.shape_cast %get3A_221 : vector<1x16xf32> to vector<16xf32>
      %get3A_223 = arith.index_cast %scan3A_206 : i32 to index
      %get3A_224 = arith.constant 0 : index
      %get3A_225 = tpu.vector_load %arg13[%get3A_223, %get3A_224] {strides = array<i32>} : memref<128x128xf32, #tpu.memory_space<vmem>>, vector<1x16xf32>,
      %get3A_226 = vector.shape_cast %get3A_225 : vector<1x16xf32> to vector<16xf32>
      %get3A_227 = arith.index_cast %scan3A_206 : i32 to index
      %get3A_228 = arith.constant 64 : index
      %get3A_229 = tpu.vector_load %arg13[%get3A_227, %get3A_228] {strides = array<i32>} : memref<128x128xf32, #tpu.memory_space<vmem>>, vector<1x16xf32>,
      %get3A_230 = vector.shape_cast %get3A_229 : vector<1x16xf32> to vector<16xf32>
      %mul3A_231 = arith.mulf %get3A_210, %get3A_218 : vector<16xf32>
      %mul3A_232 = arith.mulf %get3A_214, %get3A_222 : vector<16xf32>
      %add3A_233 = arith.addf %mul3A_231, %mul3A_232 : vector<16xf32>
      %mul3A_234 = arith.mulf %get3A_226, %add3A_233 : vector<16xf32>
      %add3A_235 = arith.addf %broadcast_in_dim3A_207, %mul3A_234 : vector<16xf32>
      %mul3A_236 = arith.mulf %get3A_210, %get3A_222 : vector<16xf32>
      %mul3A_237 = arith.mulf %get3A_214, %get3A_218 : vector<16xf32>
      %sub3A = arith.subf %mul3A_236, %mul3A_237 : vector<16xf32>
      %mul3A_238 = arith.mulf %get3A_230, %sub3A : vector<16xf32>
      %add3A_239 = arith.addf %add3A_235, %mul3A_238 : vector<16xf32>
      %get3A_240 = arith.index_cast %scan3A_206 : i32 to index
      %get3A_241 = arith.constant 16 : index
      %get3A_242 = tpu.vector_load %arg11[%get3A_240, %get3A_241] {strides = array<i32>} : memref<128x128xf32, #tpu.memory_space<vmem>>, vector<1x16xf32>,
      %get3A_243 = vector.shape_cast %get3A_242 : vector<1x16xf32> to vector<16xf32>
      %get3A_244 = arith.index_cast %scan3A_206 : i32 to index
      %get3A_245 = arith.constant 80 : index
      %get3A_246 = tpu.vector_load %arg11[%get3A_244, %get3A_245] {strides = array<i32>} : memref<128x128xf32, #tpu.memory_space<vmem>>, vector<1x16xf32>,
      %get3A_247 = vector.shape_cast %get3A_246 : vector<1x16xf32> to vector<16xf32>
      %get3A_248 = arith.index_cast %scan3A_206 : i32 to index
      %get3A_249 = arith.constant 16 : index
      %get3A_250 = tpu.vector_load %arg12[%get3A_248, %get3A_249] {strides = array<i32>} : memref<128x128xf32, #tpu.memory_space<vmem>>, vector<1x16xf32>,
      %get3A_251 = vector.shape_cast %get3A_250 : vector<1x16xf32> to vector<16xf32>
      %get3A_252 = arith.index_cast %scan3A_206 : i32 to index
      %get3A_253 = arith.constant 80 : index
      %get3A_254 = tpu.vector_load %arg12[%get3A_252, %get3A_253] {strides = array<i32>} : memref<128x128xf32, #tpu.memory_space<vmem>>, vector<1x16xf32>,
      %get3A_255 = vector.shape_cast %get3A_254 : vector<1x16xf32> to vector<16xf32>
      %get3A_256 = arith.index_cast %scan3A_206 : i32 to index
      %get3A_257 = arith.constant 16 : index
      %get3A_258 = tpu.vector_load %arg13[%get3A_256, %get3A_257] {strides = array<i32>} : memref<128x128xf32, #tpu.memory_space<vmem>>, vector<1x16xf32>,
      %get3A_259 = vector.shape_cast %get3A_258 : vector<1x16xf32> to vector<16xf32>
      %get3A_260 = arith.index_cast %scan3A_206 : i32 to index
      %get3A_261 = arith.constant 80 : index
      %get3A_262 = tpu.vector_load %arg13[%get3A_260, %get3A_261] {strides = array<i32>} : memref<128x128xf32, #tpu.memory_space<vmem>>, vector<1x16xf32>,
      %get3A_263 = vector.shape_cast %get3A_262 : vector<1x16xf32> to vector<16xf32>
      %mul3A_264 = arith.mulf %get3A_243, %get3A_251 : vector<16xf32>
      %mul3A_265 = arith.mulf %get3A_247, %get3A_255 : vector<16xf32>
      %add3A_266 = arith.addf %mul3A_264, %mul3A_265 : vector<16xf32>
      %mul3A_267 = arith.mulf %get3A_259, %add3A_266 : vector<16xf32>
      %add3A_268 = arith.addf %add3A_239, %mul3A_267 : vector<16xf32>
      %mul3A_269 = arith.mulf %get3A_243, %get3A_255 : vector<16xf32>
      %mul3A_270 = arith.mulf %get3A_247, %get3A_251 : vector<16xf32>
      %sub3A_271 = arith.subf %mul3A_269, %mul3A_270 : vector<16xf32>
      %mul3A_272 = arith.mulf %get3A_263, %sub3A_271 : vector<16xf32>
      %add3A_273 = arith.addf %add3A_268, %mul3A_272 : vector<16xf32>
      %get3A_274 = arith.index_cast %scan3A_206 : i32 to index
      %get3A_275 = arith.constant 32 : index
      %get3A_276 = tpu.vector_load %arg11[%get3A_274, %get3A_275] {strides = array<i32>} : memref<128x128xf32, #tpu.memory_space<vmem>>, vector<1x16xf32>,
      %get3A_277 = vector.shape_cast %get3A_276 : vector<1x16xf32> to vector<16xf32>
      %get3A_278 = arith.index_cast %scan3A_206 : i32 to index
      %get3A_279 = arith.constant 96 : index
      %get3A_280 = tpu.vector_load %arg11[%get3A_278, %get3A_279] {strides = array<i32>} : memref<128x128xf32, #tpu.memory_space<vmem>>, vector<1x16xf32>,
      %get3A_281 = vector.shape_cast %get3A_280 : vector<1x16xf32> to vector<16xf32>
      %get3A_282 = arith.index_cast %scan3A_206 : i32 to index
      %get3A_283 = arith.constant 32 : index
      %get3A_284 = tpu.vector_load %arg12[%get3A_282, %get3A_283] {strides = array<i32>} : memref<128x128xf32, #tpu.memory_space<vmem>>, vector<1x16xf32>,
      %get3A_285 = vector.shape_cast %get3A_284 : vector<1x16xf32> to vector<16xf32>
      %get3A_286 = arith.index_cast %scan3A_206 : i32 to index
      %get3A_287 = arith.constant 96 : index
      %get3A_288 = tpu.vector_load %arg12[%get3A_286, %get3A_287] {strides = array<i32>} : memref<128x128xf32, #tpu.memory_space<vmem>>, vector<1x16xf32>,
      %get3A_289 = vector.shape_cast %get3A_288 : vector<1x16xf32> to vector<16xf32>
      %get3A_290 = arith.index_cast %scan3A_206 : i32 to index
      %get3A_291 = arith.constant 32 : index
      %get3A_292 = tpu.vector_load %arg13[%get3A_290, %get3A_291] {strides = array<i32>} : memref<128x128xf32, #tpu.memory_space<vmem>>, vector<1x16xf32>,
      %get3A_293 = vector.shape_cast %get3A_292 : vector<1x16xf32> to vector<16xf32>
      %get3A_294 = arith.index_cast %scan3A_206 : i32 to index
      %get3A_295 = arith.constant 96 : index
      %get3A_296 = tpu.vector_load %arg13[%get3A_294, %get3A_295] {strides = array<i32>} : memref<128x128xf32, #tpu.memory_space<vmem>>, vector<1x16xf32>,
      %get3A_297 = vector.shape_cast %get3A_296 : vector<1x16xf32> to vector<16xf32>
      %mul3A_298 = arith.mulf %get3A_277, %get3A_285 : vector<16xf32>
      %mul3A_299 = arith.mulf %get3A_281, %get3A_289 : vector<16xf32>
      %add3A_300 = arith.addf %mul3A_298, %mul3A_299 : vector<16xf32>
      %mul3A_301 = arith.mulf %get3A_293, %add3A_300 : vector<16xf32>
      %add3A_302 = arith.addf %add3A_273, %mul3A_301 : vector<16xf32>
      %mul3A_303 = arith.mulf %get3A_277, %get3A_289 : vector<16xf32>
      %mul3A_304 = arith.mulf %get3A_281, %get3A_285 : vector<16xf32>
      %sub3A_305 = arith.subf %mul3A_303, %mul3A_304 : vector<16xf32>
      %mul3A_306 = arith.mulf %get3A_297, %sub3A_305 : vector<16xf32>
      %add3A_307 = arith.addf %add3A_302, %mul3A_306 : vector<16xf32>
      %get3A_308 = arith.index_cast %scan3A_206 : i32 to index
      %get3A_309 = arith.constant 48 : index
      %get3A_310 = tpu.vector_load %arg11[%get3A_308, %get3A_309] {strides = array<i32>} : memref<128x128xf32, #tpu.memory_space<vmem>>, vector<1x16xf32>,
      %get3A_311 = vector.shape_cast %get3A_310 : vector<1x16xf32> to vector<16xf32>
      %get3A_312 = arith.index_cast %scan3A_206 : i32 to index
      %get3A_313 = arith.constant 112 : index
      %get3A_314 = tpu.vector_load %arg11[%get3A_312, %get3A_313] {strides = array<i32>} : memref<128x128xf32, #tpu.memory_space<vmem>>, vector<1x16xf32>,
      %get3A_315 = vector.shape_cast %get3A_314 : vector<1x16xf32> to vector<16xf32>
      %get3A_316 = arith.index_cast %scan3A_206 : i32 to index
      %get3A_317 = arith.constant 48 : index
      %get3A_318 = tpu.vector_load %arg12[%get3A_316, %get3A_317] {strides = array<i32>} : memref<128x128xf32, #tpu.memory_space<vmem>>, vector<1x16xf32>,
      %get3A_319 = vector.shape_cast %get3A_318 : vector<1x16xf32> to vector<16xf32>
      %get3A_320 = arith.index_cast %scan3A_206 : i32 to index
      %get3A_321 = arith.constant 112 : index
      %get3A_322 = tpu.vector_load %arg12[%get3A_320, %get3A_321] {strides = array<i32>} : memref<128x128xf32, #tpu.memory_space<vmem>>, vector<1x16xf32>,
      %get3A_323 = vector.shape_cast %get3A_322 : vector<1x16xf32> to vector<16xf32>
      %get3A_324 = arith.index_cast %scan3A_206 : i32 to index
      %get3A_325 = arith.constant 48 : index
      %get3A_326 = tpu.vector_load %arg13[%get3A_324, %get3A_325] {strides = array<i32>} : memref<128x128xf32, #tpu.memory_space<vmem>>, vector<1x16xf32>,
      %get3A_327 = vector.shape_cast %get3A_326 : vector<1x16xf32> to vector<16xf32>
      %get3A_328 = arith.index_cast %scan3A_206 : i32 to index
      %get3A_329 = arith.constant 112 : index
      %get3A_330 = tpu.vector_load %arg13[%get3A_328, %get3A_329] {strides = array<i32>} : memref<128x128xf32, #tpu.memory_space<vmem>>, vector<1x16xf32>,
      %get3A_331 = vector.shape_cast %get3A_330 : vector<1x16xf32> to vector<16xf32>
      %mul3A_332 = arith.mulf %get3A_311, %get3A_319 : vector<16xf32>
      %mul3A_333 = arith.mulf %get3A_315, %get3A_323 : vector<16xf32>
      %add3A_334 = arith.addf %mul3A_332, %mul3A_333 : vector<16xf32>
      %mul3A_335 = arith.mulf %get3A_327, %add3A_334 : vector<16xf32>
      %add3A_336 = arith.addf %add3A_307, %mul3A_335 : vector<16xf32>
      %mul3A_337 = arith.mulf %get3A_311, %get3A_323 : vector<16xf32>
      %mul3A_338 = arith.mulf %get3A_315, %get3A_319 : vector<16xf32>
      %sub3A_339 = arith.subf %mul3A_337, %mul3A_338 : vector<16xf32>
      %mul3A_340 = arith.mulf %get3A_331, %sub3A_339 : vector<16xf32>
      %add3A_341 = arith.addf %add3A_336, %mul3A_340 : vector<16xf32>
      %jit3A = arith.constant 8 : i32
      %div3A = arith.divsi %scan3A_206, %jit3A : i32
      %sign3A = arith.constant 0 : i32
      %sign3A_342 = arith.cmpi sgt, %scan3A_206, %sign3A : i32
      %sign3A_343 = arith.extui %sign3A_342 : i1 to i32
      %sign3A_344 = arith.constant 0 : i32
      %sign3A_345 = arith.cmpi slt, %scan3A_206, %sign3A_344 : i32
      %sign3A_346 = arith.extui %sign3A_345 : i1 to i32
      %sign3A_347 = arith.subi %sign3A_343, %sign3A_346 : i32
      %sign3A_348 = arith.constant 0 : i32
      %sign3A_349 = arith.cmpi sgt, %jit3A, %sign3A_348 : i32
      %sign3A_350 = arith.extui %sign3A_349 : i1 to i32
      %sign3A_351 = arith.constant 0 : i32
      %sign3A_352 = arith.cmpi slt, %jit3A, %sign3A_351 : i32
      %sign3A_353 = arith.extui %sign3A_352 : i1 to i32
      %sign3A_354 = arith.subi %sign3A_350, %sign3A_353 : i32
      %ne3A = arith.cmpi ne, %sign3A_347, %sign3A_354 : i32
      %rem3A = arith.remsi %scan3A_206, %jit3A : i32
      %ne3A_355 = arith.constant 0 : i32
      %ne3A_356 = arith.cmpi ne, %rem3A, %ne3A_355 : i32
      %and3A = arith.andi %ne3A, %ne3A_356 : i1
      %sub3A_357 = arith.constant 1 : i32
      %sub3A_358 = arith.subi %div3A, %sub3A_357 : i32
      %select_n3A = arith.select %and3A, %sub3A_358, %div3A : i32
      %jit3A_359 = arith.constant 8 : i32
      %eq3A = arith.constant 0 : i32
      %eq3A_360 = arith.cmpi eq, %jit3A_359, %eq3A : i32
      %jit3A_361 = arith.constant 1 : i32
      %select_n3A_362 = arith.select %eq3A_360, %jit3A_361, %jit3A_359 : i32
      %rem3A_363 = arith.remsi %scan3A_206, %select_n3A_362 : i32
      %ne3A_364 = arith.constant 0 : i32
      %ne3A_365 = arith.cmpi ne, %rem3A_363, %ne3A_364 : i32
      %lt3A = arith.constant 0 : i32
      %lt3A_366 = arith.cmpi slt, %rem3A_363, %lt3A : i32
      %lt3A_367 = arith.constant 0 : i32
      %lt3A_368 = arith.cmpi slt, %select_n3A_362, %lt3A_367 : i32
      %ne3A_369 = arith.xori %lt3A_366, %lt3A_368 : i1
      %and3A_370 = arith.andi %ne3A_369, %ne3A_365 : i1
      %add3A_371 = arith.addi %rem3A_363, %select_n3A_362 : i32
      %select_n3A_372 = arith.select %and3A_370, %add3A_371, %rem3A_363 : i32
      %mul3A_373 = arith.constant 16 : i32
      %mul3A_374 = arith.muli %select_n3A_372, %mul3A_373 : i32
      %swap3A = arith.index_cast %select_n3A : i32 to index
      %swap3A_375 = arith.index_cast %mul3A_374 : i32 to index
      %swap3A_376 = tpu.vector_load %arg14[%swap3A, %swap3A_375] {strides = array<i32>} : memref<16x128xf32, #tpu.memory_space<vmem>>, vector<1x16xf32>,
      %swap3A_377 = vector.shape_cast %swap3A_376 : vector<1x16xf32> to vector<16xf32>
      %swap3A_378 = vector.shape_cast %add3A_341 : vector<16xf32> to vector<1x16xf32>
      tpu.vector_store %arg14[%swap3A, %swap3A_375], %swap3A_378 {strides = array<i32>} : memref<16x128xf32, #tpu.memory_space<vmem>>, vector<1x16xf32>,
    }
    %scan3A_201 = arith.constant 128 : i32
    %mul3A_202 = arith.constant 64 : i32
    %mul3A_203 = arith.muli %add3A, %mul3A_202 : i32
    %add3A_204 = arith.constant 48 : i32
    %add3A_205 = arith.addi %mul3A_203, %add3A_204 : i32
    "tpu.region"() ({
      %run_scoped3A = tpu.sem_alloc : memref<!tpu.dma_semaphore, #tpu.memory_space<semaphore_mem>>
      %dma_start3A_206 = arith.constant 0 : i32
      %dma_start3A_207 = tpu.memref_slice %arg7[%add3A_205, %dma_start3A_206] : memref<2048x128xf32, #tpu.memory_space<hbm>> -> memref<16x128xf32, #tpu.memory_space<hbm>>
      %dma_start3A_208 = arith.constant 0 : i32
      %dma_start3A_209 = tpu.memref_slice %arg7[%add3A_205, %dma_start3A_208] : memref<2048x128xf32, #tpu.memory_space<hbm>> -> memref<16x128xf32, #tpu.memory_space<hbm>>
      tpu.enqueue_dma source(%arg14 : memref<16x128xf32, #tpu.memory_space<vmem>>) target(%dma_start3A_209 : memref<16x128xf32, #tpu.memory_space<hbm>>) target_semaphore(%run_scoped3A : memref<!tpu.dma_semaphore, #tpu.memory_space<semaphore_mem>>)
      %dma_wait3A_210 = arith.constant 0 : i32
      %dma_wait3A_211 = tpu.memref_slice %arg7[%add3A_205, %dma_wait3A_210] : memref<2048x128xf32, #tpu.memory_space<hbm>> -> memref<16x128xf32, #tpu.memory_space<hbm>>
      %dma_wait3A_212 = arith.constant 0 : i32
      %dma_wait3A_213 = tpu.memref_slice %arg7[%add3A_205, %dma_wait3A_212] : memref<2048x128xf32, #tpu.memory_space<hbm>> -> memref<16x128xf32, #tpu.memory_space<hbm>>
      tpu.wait_dma2 semaphore(%run_scoped3A : memref<!tpu.dma_semaphore, #tpu.memory_space<semaphore_mem>>) src(%arg14 : memref<16x128xf32, #tpu.memory_space<vmem>>) dst(%dma_wait3A_213 : memref<16x128xf32, #tpu.memory_space<hbm>>)
      tpu.yield
    }) : () -> ()
    return
  }
}

module attributes {stable_mosaic.version = 14 : i64} {
  func.func @_pack_body(%arg0: i32, %arg1: memref<64x16384xf32, #tpu.memory_space<vmem>>, %arg2: memref<64x16384xf32, #tpu.memory_space<vmem>>, %arg3: memref<16384x128xf32, #tpu.memory_space<vmem>>) attributes {dimension_semantics = [#tpu.dimension_semantics<arbitrary>], iteration_bounds = array<i64: 62>, scalar_prefetch = 0 : i64, scratch_operands = 0 : i64, tpu.core_type = #tpu.core_type<tc>, window_params = [{transform_indices = @transform_0, window_bounds = array<i64: 64, 16384>}, {transform_indices = @transform_1, window_bounds = array<i64: 64, 16384>}, {transform_indices = @transform_2, window_bounds = array<i64: 16384, 128>}]} {
    %get3A = arith.constant 0 : index
    %get3A_0 = arith.constant 0 : index
    %get3A_1 = vector.load %arg1[%get3A, %get3A_0] : memref<64x16384xf32, #tpu.memory_space<vmem>>, vector<64x16384xf32>
    %get3A_2 = arith.constant 0 : index
    %get3A_3 = arith.constant 0 : index
    %get3A_4 = vector.load %arg2[%get3A_2, %get3A_3] : memref<64x16384xf32, #tpu.memory_space<vmem>>, vector<64x16384xf32>
    %concatenate3A = tpu.concatenate %get3A_1, %get3A_4 in 0 : vector<64x16384xf32>, vector<64x16384xf32> -> vector<128x16384xf32>
    %transpose3A = tpu.transpose %concatenate3A, [1, 0] : vector<128x16384xf32> -> vector<16384x128xf32>
    %swap3A = arith.constant 0 : index
    %swap3A_5 = arith.constant 0 : index
    %swap3A_6 = vector.load %arg3[%swap3A, %swap3A_5] : memref<16384x128xf32, #tpu.memory_space<vmem>>, vector<16384x128xf32>
    tpu.vector_store %arg3[%swap3A, %swap3A_5], %transpose3A {strides = array<i32>} : memref<16384x128xf32, #tpu.memory_space<vmem>>, vector<16384x128xf32>,
    return
  }
  func.func @transform_0(%arg0: i32) -> (i32, i32) {
    %c0_i32 = arith.constant 0 : i32
    %c0_i32_0 = arith.constant 0 : i32
    return %c0_i32, %arg0 : i32, i32
  }
  func.func @transform_1(%arg0: i32) -> (i32, i32) {
    %c0_i32 = arith.constant 0 : i32
    %c0_i32_0 = arith.constant 0 : i32
    return %c0_i32, %arg0 : i32, i32
  }
  func.func @transform_2(%arg0: i32) -> (i32, i32) {
    %c0_i32 = arith.constant 0 : i32
    %c0_i32_0 = arith.constant 0 : i32
    return %arg0, %c0_i32 : i32, i32
  }
}

module attributes {stable_mosaic.version = 14 : i64} {
  func.func @_reduce_body(%arg0: memref<2048x128xf32, #tpu.memory_space<vmem>>, %arg1: memref<2048x128xf32, #tpu.memory_space<vmem>>) attributes {dimension_semantics = [], scalar_prefetch = 0 : i64, scratch_operands = 0 : i64, tpu.core_type = #tpu.core_type<tc>} {
    %get3A = arith.constant 0 : index
    %get3A_0 = arith.constant 0 : index
    %get3A_1 = vector.load %arg0[%get3A, %get3A_0] : memref<2048x128xf32, #tpu.memory_space<vmem>>, vector<2048x128xf32>
    %iota3A = tpu.iota {dimensions = array<i32: 0>} : vector<128x128xi32>
    %iota3A_2 = tpu.iota {dimensions = array<i32: 1>} : vector<128x128xi32>
    %jit3A = arith.constant 16 : i32
    %div3A = vector.broadcast %jit3A : i32 to vector<128x128xi32>
    %div3A_3 = arith.divsi %iota3A, %div3A : vector<128x128xi32>
    %sign3A = arith.constant 0 : i32
    %sign3A_4 = vector.broadcast %sign3A : i32 to vector<128x128xi32>
    %sign3A_5 = arith.cmpi sgt, %iota3A, %sign3A_4 : vector<128x128xi32>
    %sign3A_6 = arith.extui %sign3A_5 : vector<128x128xi1> to vector<128x128xi32>
    %sign3A_7 = arith.constant 0 : i32
    %sign3A_8 = vector.broadcast %sign3A_7 : i32 to vector<128x128xi32>
    %sign3A_9 = arith.cmpi slt, %iota3A, %sign3A_8 : vector<128x128xi32>
    %sign3A_10 = arith.extui %sign3A_9 : vector<128x128xi1> to vector<128x128xi32>
    %sign3A_11 = arith.subi %sign3A_6, %sign3A_10 : vector<128x128xi32>
    %sign3A_12 = arith.constant 0 : i32
    %sign3A_13 = arith.cmpi sgt, %jit3A, %sign3A_12 : i32
    %sign3A_14 = arith.extui %sign3A_13 : i1 to i32
    %sign3A_15 = arith.constant 0 : i32
    %sign3A_16 = arith.cmpi slt, %jit3A, %sign3A_15 : i32
    %sign3A_17 = arith.extui %sign3A_16 : i1 to i32
    %sign3A_18 = arith.subi %sign3A_14, %sign3A_17 : i32
    %ne3A = vector.broadcast %sign3A_18 : i32 to vector<128x128xi32>
    %ne3A_19 = arith.cmpi ne, %sign3A_11, %ne3A : vector<128x128xi32>
    %rem3A = vector.broadcast %jit3A : i32 to vector<128x128xi32>
    %rem3A_20 = arith.remsi %iota3A, %rem3A : vector<128x128xi32>
    %ne3A_21 = arith.constant 0 : i32
    %ne3A_22 = vector.broadcast %ne3A_21 : i32 to vector<128x128xi32>
    %ne3A_23 = arith.cmpi ne, %rem3A_20, %ne3A_22 : vector<128x128xi32>
    %and3A = arith.andi %ne3A_19, %ne3A_23 : vector<128x128xi1>
    %sub3A = arith.constant 1 : i32
    %sub3A_24 = vector.broadcast %sub3A : i32 to vector<128x128xi32>
    %sub3A_25 = arith.subi %div3A_3, %sub3A_24 : vector<128x128xi32>
    %select_n3A = arith.select %and3A, %sub3A_25, %div3A_3 : vector<128x128xi1>, vector<128x128xi32>
    %eq3A = arith.cmpi eq, %select_n3A, %iota3A_2 : vector<128x128xi32>
    %convert_element_type3A = arith.extui %eq3A : vector<128x128xi1> to vector<128x128xi32>
    %convert_element_type3A_26 = arith.sitofp %convert_element_type3A : vector<128x128xi32> to vector<128x128xf32>
    %dot_general3A = arith.constant dense<0.000000e+00> : vector<2048x128xf32>
    %dot_general3A_27 = tpu.matmul %get3A_1, %convert_element_type3A_26, %dot_general3A {dimension_numbers = #tpu.dot_dimension_numbers<[1], [0], [0], [1], [0, 0, 1, 1], [], []>, transpose_lhs_hint = false} : vector<2048x128xf32>, vector<128x128xf32>, vector<2048x128xf32> -> vector<2048x128xf32>
    %neg3A = arith.constant 0.000000e+00 : f32
    %neg3A_28 = vector.broadcast %neg3A : f32 to vector<2048x128xf32>
    %neg3A_29 = arith.subf %neg3A_28, %dot_general3A_27 : vector<2048x128xf32>
    %swap3A = arith.constant 0 : index
    %swap3A_30 = arith.constant 0 : index
    %swap3A_31 = vector.load %arg1[%swap3A, %swap3A_30] : memref<2048x128xf32, #tpu.memory_space<vmem>>, vector<2048x128xf32>
    tpu.vector_store %arg1[%swap3A, %swap3A_30], %neg3A_29 {strides = array<i32>} : memref<2048x128xf32, #tpu.memory_space<vmem>>, vector<2048x128xf32>,
    return
  }
}

</mosaic_0001>

<sc_bundles>
// kernel: kernel.5.cloned.1.call-start
scs
__scs_entry_jumppad:
0x0: {  	(pc) =	sbr.rel $0x88, $3  }
0x1: {  	(tag) =	ssettag $0x0;
	lr =	simm.s32 $0x1  }
0x2: {  	[smem:$0x3F9A] =	sst lr;
	_ =	strace $0xD0000000  }
0x3: {  	_ = 	snop  }
0x4: {  	_ = 	snop  }
0x5: {  	_ = 	snop  }
0x6: {  	_ = 	snop  }
0x7: {  	_ = 	snop  }
__scs_overlays_trampoline_lowered:
0x8: {  	[smem:$0x3FA9] =	sst s0  }
0x9: {  	[smem:$0x3FAA] =	sst s1  }
0xa: {  	[smem:$0x3FAB] =	sst s2  }
0xb: {  	[smem:$0x3FAC] =	sst s3  }
0xc: {  	[smem:$0x3FAD] =	sst s4  }
0xd: {  	[smem:$0x3FAE] =	sst s5  }
0xe: {  	[smem:$0x3FAF] =	sst s6  }
0xf: {  	[smem:$0x3FB0] =	sst s7  }
0x10: {  	[smem:$0x3FB1] =	sst s8  }
0x11: {  	[smem:$0x3FB2] =	sst s9;
	s0 =	simm.s32 @!p0 $0x0  }
0x12: {  	s1 =	sld [smem:$0x3F98];
	s0 =	simm.s32 @p0 $0x1  }
0x13: {  	[smem:$0x3FB3] =	sst s0;
	s0 =	simm.s32 @!p1 $0x0  }
0x14: {  	s2 =	sld [smem:$0x3F97];
	s0 =	simm.s32 @p1 $0x1  }
0x15: {  	[smem:$0x3FB4] =	sst s0;
	s0 =	simm.s32 @!p2 $0x0  }
0x16: {  	s3 =	sld [smem:$0x3FDB];
	s0 =	simm.s32 @p2 $0x1  }
0x17: {  	s4 =	simm.s32 $0x1BF5;
	[smem:$0x3FB6] =	sst s0  }
0x18: {  	s0 =	sld [smem:$0x3F99];
	_ =	swait.ge [sflag:s4], $0x0  }
0x19: {  	s7 =	sld [smem:$0x3F9A]  }
0x1a: {  	s8 =	sadd.s32 $0xFFFFE003, lr  }
0x1b: {  	s9 =	sadd.s32 $0xFFFFFEF7, lr;
	s5 =	simm.s32 $0xFFFFFFFF;
	p2 =	slt.u32 s8, $0xFFFFF086  }
0x1c: {  	p1 =	slt.u32 s9, $0xF7A;
	s5 =	simm.s32 @!p2 $0x0  }
0x1d: {  	s5 =	simm.s32 @p1 $0x1;
	p0 =	seq.s32 s7, s2  }
0x1e: {  	s7 =	smul.u32 @!p0 $0xF7A, s2;
	p2 =	seq.s32 @!p0 s5, $0x0  }
0x1f: {  	s9 =	smul.u32 $0xF7A, s1;
	s8 =	simm.s32 @!p0 $0x1BF5;
	p2 =	por !p2, p0  }
0x20: {  	[sflag:s8] =	ssyncset.s32 @!p0 $0xFFFFF086;
	s6 =	sadd.s32 @!p0 s3, s7;
	s7 =	simm.s32 @!p0 $0x108  }
0x21: {  	s3 =	sadd.s32 s3, s9;
	s6 =	sadd.s32 @!p0 $0x88, s6;
	s7 =	simm.s32 @p2 $0x1082  }
0x22: {  	[simem:s7], [sflag:s8] =	dma.local @!p0 [hbm:s6], $0xF7A  }
0x23: {  	s9 =	sor.u32 $0xD0000000, s2;
	s6 =	simm.s32 $0x108;
	_ =	swait.ge @!p0 [sflag:s8], $0x0  }
0x24: {  	s3 =	sadd.s32 $0x88, s3;
	s6 =	simm.s32 @!p1 $0x1082;
	[sflag:s4] =	ssyncset.s32 $0xFFFFF086  }
0x25: {  	[simem:s6], [sflag:s4] =	dma.local [hbm:s3], $0xF7A  }
0x26: {  	[smem:$0x3F9A] =	sst s1;
	(tag) =	ssettag s2;
	_ =	strace s9  }
0x27: {  	s1 =	sld [smem:$0x3FAA]  }
0x28: {  	s2 =	sld [smem:$0x3FAB]  }
0x29: {  	s4 =	sld [smem:$0x3FAD]  }
0x2a: {  	p0 =	seq.s32 s5, $0x0;
	s5 =	sld [smem:$0x3FAE]  }
0x2b: {  	s6 =	sld [smem:$0x3FAF]  }
0x2c: {  	s7 =	sld [smem:$0x3FB0]  }
0x2d: {  	s3 =	simm.s32 $0x108;
	s8 =	sld [smem:$0x3FB1]  }
0x2e: {  	s3 =	simm.s32 @!p0 $0x1082;
	s9 =	sld [smem:$0x3FB2]  }
0x2f: {  	lr =	sadd.s32 s0, s3;
	s0 =	sld [smem:$0x3FA9]  }
0x30: {  	s3 =	sld [smem:$0x3FAC]  }
0x31: {  	[smem:$0x3FB5] =	sst s10  }
0x32: {  	s10 =	sld [smem:$0x3FB3];
	_ =	sdelay $0x3  }
0x33: {  	p0 =	seq.s32 s10, $0x1;
	s10 =	sld [smem:$0x3FB5];
	_ =	sdelay $0x3  }
0x34: {  	[smem:$0x3FB5] =	sst s10  }
0x35: {  	s10 =	sld [smem:$0x3FB4];
	_ =	sdelay $0x3  }
0x36: {  	p1 =	seq.s32 s10, $0x1;
	s10 =	sld [smem:$0x3FB5];
	_ =	sdelay $0x3  }
0x37: {  	[smem:$0x3FB5] =	sst s10  }
0x38: {  	s10 =	sld [smem:$0x3FB6]  }
0x39: {  	_ = 	snop;
	(pc) =	sbr.ind lr, $3  }
0x3a: {  	_ = 	snop  }
0x3b: {  	_ = 	snop  }
0x3c: {  	p2 =	seq.s32 s10, $0x1;
	s10 =	sld [smem:$0x3FB5]  }
0x3d: {  	_ =	shalt  }
0x3e: {  	_ =	shalt  }
0x3f: {  	_ =	shalt  }
0x40: {  	_ =	shalt  }
0x41: {  	_ =	shalt  }
0x42: {  	_ =	shalt  }
0x43: {  	_ =	shalt  }
0x44: {  	_ =	shalt  }
0x45: {  	_ =	shalt  }
0x46: {  	_ =	shalt  }
0x47: {  	_ =	shalt  }
0x48: {  	_ =	shalt  }
0x49: {  	_ =	shalt  }
0x4a: {  	_ =	shalt  }
0x4b: {  	_ =	shalt  }
0x4c: {  	_ =	shalt  }
0x4d: {  	_ =	shalt  }
0x4e: {  	_ =	shalt  }
0x4f: {  	_ =	shalt  }
0x50: {  	_ =	shalt  }
0x51: {  	_ =	shalt  }
0x52: {  	_ =	shalt  }
0x53: {  	_ =	shalt  }
0x54: {  	_ =	shalt  }
0x55: {  	_ =	shalt  }
0x56: {  	_ =	shalt  }
0x57: {  	_ =	shalt  }
0x58: {  	_ =	shalt  }
0x59: {  	_ =	shalt  }
0x5a: {  	_ =	shalt  }
0x5b: {  	_ =	shalt  }
0x5c: {  	_ =	shalt  }
0x5d: {  	_ =	shalt  }
0x5e: {  	_ =	shalt  }
0x5f: {  	_ =	shalt  }
0x60: {  	_ =	shalt  }
0x61: {  	_ =	shalt  }
0x62: {  	_ =	shalt  }
0x63: {  	_ =	shalt  }
0x64: {  	_ =	shalt  }
0x65: {  	_ =	shalt  }
0x66: {  	_ =	shalt  }
0x67: {  	_ =	shalt  }
0x68: {  	_ =	shalt  }
0x69: {  	_ =	shalt  }
0x6a: {  	_ =	shalt  }
0x6b: {  	_ =	shalt  }
0x6c: {  	_ =	shalt  }
0x6d: {  	_ =	shalt  }
0x6e: {  	_ =	shalt  }
0x6f: {  	_ =	shalt  }
0x70: {  	_ =	shalt  }
0x71: {  	_ =	shalt  }
0x72: {  	_ =	shalt  }
0x73: {  	_ =	shalt  }
0x74: {  	_ =	shalt  }
0x75: {  	_ =	shalt  }
0x76: {  	_ =	shalt  }
0x77: {  	_ =	shalt  }
0x78: {  	_ =	shalt  }
0x79: {  	_ =	shalt  }
0x7a: {  	_ =	shalt  }
0x7b: {  	_ =	shalt  }
0x7c: {  	_ =	shalt  }
0x7d: {  	_ =	shalt  }
0x7e: {  	_ =	shalt  }
0x7f: {  	_ =	shalt  }
0x80: {  	_ =	shalt  }
0x81: {  	_ =	shalt  }
0x82: {  	_ =	shalt  }
0x83: {  	_ =	shalt  }
0x84: {  	_ =	shalt  }
0x85: {  	_ =	shalt  }
0x86: {  	_ =	shalt  }
0x87: {  	_ =	shalt  }
.Lfunc_end0:
.L_simem_size_0:
called_computation_lowered:
.L_overlay_start_0:
0x88: {  	s2 =	sld [smem:$0x3FD9]  }
0x89: {  	s3 =	sld [smem:$0x3FFE];
	_ =	sdelay $0x1  }
0x8a: {  	s1 =	srdreg.scid  }
0x8b: {  	s0 =	sand.u32 $0x1, s1  }
0x8c: {  	s17 =	sshll.u32 s0, $0xA;
	s2 =	sadd.s32 s3, s2  }
0x8d: {  	s2 =	sadd.s32 s2, s17  }
0x8e: {  	[smem:$0x3FC1] =	sst s2  }
0x8f: {  	_ = 	snop  }
0x90: {  	s2 =	sld [smem:$0x3FC9]  }
0x91: {  	s18 =	sld [smem:$0x3FC8]  }
0x92: {  	s4 =	sld [smem:$0x3FC7];
	(tm) =	ssettm $0x1  }
0x93: {  	s5 =	sld [smem:$0x3FFB];
	_ =	sdelay $0x3  }
0x94: {  	_ =	strace s5  }
0x95: {  	s5 =	sld [smem:$0x3FFC];
	_ =	sdelay $0x3  }
0x96: {  	_ =	strace s5  }
0x97: {  	s5 =	sld [smem:$0x3FFD];
	_ =	sdelay $0x3  }
0x98: {  	_ =	strace s5  }
0x99: {  	_ =	strace $0x8FFFFFFF  }
0x9a: {  	s19 =	sld [smem:$0x3FDB];
	_ =	sdelay $0x1  }
0x9b: {  	s6 =	simm.s32 $_scs_section_size  }
0x9c: {  	s7 =	simm.s32 $_size__tile_overlayer_lowered;
	s8 =	simm.s32 $_tile_overlayer_lowered  }
0x9d: {  	s22 =	simm.s32 $0x1BFF;
	s21 =	sshll.u32 s8, $0x1;
	s5 =	sadd.s32 s6, s19  }
0x9e: {  	s9 =	simm.s32 $0x0;
	s20 =	sshll.u32 s7, $0x1;
	s7 =	sadd.s32 s21, s5  }
0x9f: {  	[timem:s9], [sflag:s22] =	dma.local [hbm:s7], s20  }
0xa0: {  	_ =	swait.ge [sflag:s22], s20  }
0xa1: {  	s6 =	ssub.s32 $0x0, s20;
	[sflag:s22] =	ssyncset.done $0x0  }
0xa2: {  	[sflag:s22] =	ssyncadd.s32 s6;
	_ =	sdelay $0x1  }
0xa3: {  	s23 =	simm.s32 $0x1B8B  }
0xa4: {  	_ =	swait.ge [sflag:s23], $0x1  }
0xa5: {  	[sflag:s23] =	ssyncset.done $0x0  }
0xa6: {  	s25 =	simm.s32 $0x1B8E;
	s24 =	sld [smem:$0x3FFE];
	[sflag:s23] =	ssyncadd.s32 $0xFFFFFFFF  }
0xa7: {  	s26 =	simm.s32 $execute0_lowered;
	[smem:$0x3FD2] =	sst s25  }
0xa8: {  	s7 =	sshll.u32 s26, $0x1;
	_ =	strace $0x80000046;
	[dreg:$0x1] =	wrdreg $0xFFFFFFFF  }
0xa9: {  	s28 =	simm.s32 $_size_execute0_lowered;
	s5 =	sadd.s32 s5, s7;
	[dreg:$0x0] =	wrdreg $0x0  }
0xaa: {  	s7 =	sshll.u32 s28, $0x1;
	[dreg:$0x2] =	wrdreg s5  }
0xab: {  	[dreg:$0x3] =	wrdreg s7  }
0xac: {  	[dreg:$0x4] =	wrdreg $0xC0  }
0xad: {  	_ =	task [dreg:s9], $0x5FFFF  }
0xae: {  	[dreg:$0x1] =	wrdreg $0xFFFFFFFF  }
0xaf: {  	[dreg:$0x0] =	wrdreg $0x60  }
0xb0: {  	[dreg:$0x2] =	wrdreg s2  }
0xb1: {  	[dreg:$0x3] =	wrdreg s18  }
0xb2: {  	[dreg:$0x4] =	wrdreg s4  }
0xb3: {  	[dreg:$0x5] =	wrdreg s24  }
0xb4: {  	[dreg:$0x6] =	wrdreg $0x9  }
0xb5: {  	_ =	task.clear_ibuf [dreg:s9], $0x7FFFF;
	_ =	strace $0x90000046  }
0xb6: {  	s29 =	simm.s32 $0x9;
	_ =	strace $0x80000048  }
0xb7: {  	_ =	swait.ge [sflag:s29], $0x1  }
0xb8: {  	[sflag:s29] =	ssyncadd.s32 $0xFFFFFFFF  }
0xb9: {  	_ =	strace $0x90000048  }
0xba: {  	_ =	sfence  }
0xbb: {  	s30 =	sld [smem:$0x0];
	_ =	sdelay $0x2  }
0xbc: {  	s31 =	sshll.u32 s1, $0xD;
	s1 =	sshrl.u32 s1, $0x2  }
0xbd: {  	s3 =	sand.u32 $0x4000, s31;
	s1 =	sadd.s32 s1, s30  }
0xbe: {  	s0 =	sor.u32 s3, s0;
	s1 =	sshll.u32 s1, $0x11  }
0xbf: {  	s0 =	sor.u32 s1, s0  }
0xc0: {  	s0 =	sadd.s32 $0x8F2B, s0  }
0xc1: {  	[sflag:s0] =	ssyncadd.remote.s32 $0x1  }
0xc2: {  	_ =	sfence.sel $0xFFFF  }
0xc3: {  	[dreg:$0x0] =	wrdreg $0xFFFFFFFF;
	(pc) =	sbr.abs _section_cstart, $3  }
0xc4: {  	[dreg:$0x1] =	wrdreg $0xFFFFFFFF  }
0xc5: {  	_ =	task.clear_ibuf [dreg:s9], $0x2FFFF;
	_ =	strace $0x9FFFFFFF  }
0xc6: {  	(tm) =	ssettm $0x7FFFFFFF  }
0xc7: {  	_ =	shalt  }
tec
execute0_lowered:
.L_overlay_start_1:
0x0: {  	(tag) =	ssettag $0x1  }
0x1: {  	s0 =	rddreg [dreg:$0x0]  }
0x2: {  	s1 =	rddreg [dreg:$0x1]  }
0x3: {  	s7 =	rddreg [dreg:$0x2]  }
0x4: {  	s5 =	rddreg [dreg:$0x3]  }
0x5: {  	s2 =	simm.s32 $0x0;
	s3 =	srdreg.scid;
	s4 =	stileid.u32  }
0x6: {  	s13 =	simm.s32 $0x2;
	s14 =	simm.s32 $0x200;
	s15 =	simm.s32 $0x400  }
0x7: {  	s16 =	simm.s32 $0x80;
	s17 =	simm.s32 $0x600;
	s18 =	simm.s32 $0x4600  }
0x8: {  	s19 =	simm.s32 $0x8600;
	s20 =	simm.s32 $0x1;
	s21 =	simm.s32 $0xC600  }
0x9: {  	s29 =	simm.s32 $0x580;
	s30 =	simm.s32 $0x380;
	s31 =	simm.s32 $0x0  }
0xa: {  	[smem:$0x7FF] =	sst s2;
	s6 =	sand.u32 $0x1, s3;
	s4 =	sshll.u32 s4, $0x1  }
0xb: {  	s3 =	sadd.s32 $0x4600, s5;
	_ =	strace $0x80000047;
	s8 =	sor.u32 s6, s4  }
0xc: {  	s4 =	sadd.s32 $0x600, s5;
	s6 =	ssub.s32 $0x2, s6;
	s9 =	sshll.u32 s8, $0xA  }
0xd: {  	s28 =	sshrl.u32 s6, $0x1;
	s8 =	sshll.u32 s8, $0x6;
	s11 =	sadd.s32 s9, s5  }
0xe: {  	s12 =	ssub.s32 s6, s28;
	s5 =	sadd.s32 s0, s8;
	s6 =	sadd.s32 s1, s8  }
0xf: {  	s7 =	sadd.s32 s7, s8;
	s8 =	sadd.s32 $0xF46A00, s11;
	s9 =	sadd.s32 $0xF46B00, s11  }
0x10: {  	s10 =	sadd.s32 $0xF46C00, s11;
	s11 =	sadd.s32 $0xF46D00, s11;
	s12 =	smax.u32 s12, $0x1  }
.LBB2_1:
0x11: {  	[tilespmem:s2], [sflag:$0x2] =	stream.linear.gather [hbm4b:s5+s2], $0x200, $0x38;
	[tilespmem:$0xCE00] =	vst v63  }
0x12: {  	_ =	swait.ge [sflag:s13], $0x200  }
0x13: {  	[sflag:s13] =	ssyncset.done $0x0  }
0x14: {  	[sflag:s13] =	ssyncadd.s32 $0xFFFFFE00  }
0x15: {  	[tilespmem:s14], [sflag:$0x2] =	stream.linear.gather [hbm4b:s6+s2], $0x200, $0x38;
	[tilespmem:$0xCE00] =	vst v63  }
0x16: {  	_ =	swait.ge [sflag:s13], $0x200  }
0x17: {  	[sflag:s13] =	ssyncset.done $0x0  }
0x18: {  	[sflag:s13] =	ssyncadd.s32 $0xFFFFFE00  }
0x19: {  	[tilespmem:s15], [sflag:$0x2] =	stream.linear.gather [hbm4b:s7+s2], $0x200, $0x38;
	[tilespmem:$0xCE00] =	vst v63  }
0x1a: {  	_ =	swait.ge [sflag:s13], $0x200  }
0x1b: {  	[sflag:s13] =	ssyncset.done $0x0  }
0x1c: {  	[sflag:s13] =	ssyncadd.s32 $0xFFFFFE00  }
0x1d: {  	[tilespmem:s17], [sflag:$0x1] =	stream.indirect.gather [hbm4b:s3+s16], $0x80, s2, s16, $0xb8;
	[tilespmem:$0xCE00] =	vst v63  }
0x1e: {  	_ = 	snop  }
0x1f: {  	[tilespmem:s18], [sflag:$0x1] =	stream.indirect.gather [hbm4b:s3+s16], $0x80, s15, s16, $0xb8;
	[tilespmem:$0xCE00] =	vst v63  }
0x20: {  	_ = 	snop  }
0x21: {  	[tilespmem:s19], [sflag:$0x1] =	stream.indirect.gather [hbm4b:s4+s16], $0x80, s14, s16, $0xb8;
	[tilespmem:$0xCE00] =	vst v63  }
0x22: {  	_ =	swait.ge [sflag:s20], $0x4000  }
0x23: {  	[sflag:s20] =	ssyncset.done $0x0  }
0x24: {  	[sflag:s20] =	ssyncadd.s32 $0xFFFFC000  }
0x25: {  	_ =	swait.ge [sflag:s20], $0x4000  }
0x26: {  	[sflag:s20] =	ssyncset.done $0x0  }
0x27: {  	[sflag:s20] =	ssyncadd.s32 $0xFFFFC000  }
0x28: {  	_ =	swait.ge [sflag:s20], $0x4000  }
0x29: {  	[sflag:s20] =	ssyncset.done $0x0  }
0x2a: {  	s0 =	simm.s32 $0x8640;
	[sflag:s20] =	ssyncadd.s32 $0xFFFFC000  }
0x2b: {  	v0 =	vld [tilespmem:s0+$0x10]  }
0x2c: {  	v1 =	vld [tilespmem:s0+$0xFFFFFFD0]  }
0x2d: {  	v2 =	vld [tilespmem:s0+$0x0]  }
0x2e: {  	s1 =	simm.s32 $0x4640;
	v3 =	vld [tilespmem:s0+$0xFFFFFFC0]  }
0x2f: {  	v4 =	vld [tilespmem:s1+$0xFFFFFFE0]  }
0x30: {  	s22 =	simm.s32 $0x640;
	v5 =	vld [tilespmem:s1+$0xFFFFFFC0]  }
0x31: {  	v6 =	vld [tilespmem:s22+$0xFFFFFFC0]  }
0x32: {  	v7 =	vld [tilespmem:s1+$0x0]  }
0x33: {  	v8 =	vld [tilespmem:s22+$0x0]  }
0x34: {  	v9 =	vld [tilespmem:s1+$0xFFFFFFD0]  }
0x35: {  	v10 =	vld [tilespmem:s22+$0xFFFFFFD0]  }
0x36: {  	v11 =	vld [tilespmem:s1+$0x10]  }
0x37: {  	v12 =	vld [tilespmem:s22+$0x10]  }
0x38: {  	v15 =	vld [tilespmem:s22+$0xFFFFFFE0];
	v13 =	vmul.f32 v5, v6;
	v14 =	vmul.f32 v7, v8  }
0x39: {  	v16 =	vld [tilespmem:s1+$0x20]  }
0x3a: {  	v6 =	vmul.f32 v7, v6;
	v5 =	vmul.f32 v5, v8;
	v7 =	vld [tilespmem:s22+$0x20];
	v13 =	vadd.f32 v14, v13  }
0x3b: {  	v61 =	vld [tilespmem:s1+$0xFFFFFFF0];
	v8 =	vmul.f32 v9, v10  }
0x3c: {  	v62 =	vld [tilespmem:s22+$0xFFFFFFF0];
	v5 =	vsub.f32 v6, v5;
	v6 =	vmul.f32 v11, v12;
	v3 =	vmul.f32 v13, v3  }
0x3d: {  	v10 =	vmul.f32 v11, v10;
	v9 =	vmul.f32 v9, v12;
	v11 =	vld [tilespmem:s1+$0x30]  }
0x3e: {  	v2 =	vmul.f32 v5, v2;
	v5 =	vadd.f32 v6, v8;
	v6 =	vld [tilespmem:s22+$0x30];
	v3 =	vadd.f32 $0.0e+00, v3  }
0x3f: {  	v63 =	vmul.f32 v4, v15;
	v8 =	vld [tilespmem:s0+$0xFFFFFFE0];
	v17 =	vmul.f32 v16, v7  }
0x40: {  	v1 =	vmul.f32 v5, v1;
	v2 =	vadd.f32 v3, v2;
	v3 =	vsub.f32 v10, v9  }
0x41: {  	v4 =	vmul.f32 v4, v7;
	v5 =	vld [tilespmem:s0+$0x20];
	v9 =	vmul.f32 v16, v15  }
0x42: {  	v1 =	vadd.f32 v1, v2;
	v0 =	vmul.f32 v3, v0;
	v2 =	vadd.f32 v17, v63  }
0x43: {  	v7 =	vmul.f32 v61, v62;
	v10 =	vmul.f32 v11, v6;
	v3 =	vld [tilespmem:s0+$0xFFFFFFF0]  }
0x44: {  	v0 =	vadd.f32 v1, v0;
	v1 =	vmul.f32 v2, v8;
	v2 =	vsub.f32 v9, v4  }
0x45: {  	v6 =	vmul.f32 v61, v6;
	v4 =	vld [tilespmem:s0+$0x30];
	v8 =	vmul.f32 v11, v62  }
0x46: {  	v0 =	vadd.f32 v1, v0;
	v1 =	vmul.f32 v2, v5;
	v2 =	vadd.f32 v10, v7;
	_ =	sdelay $0x1  }
0x47: {  	v0 =	vadd.f32 v0, v1;
	v1 =	vmul.f32 v2, v3;
	v2 =	vsub.f32 v8, v6;
	_ =	sdelay $0x1  }
0x48: {  	v0 =	vadd.f32 v1, v0;
	v1 =	vmul.f32 v2, v4  }
0x49: {  	s26 =	sand.u32 $0x1E00, s2  }
0x4a: {  	s28 =	sand.u32 $0x70, s2;
	s0 =	sshrl.u32 s26, $0x2;
	v0 =	vadd.f32 v0, v1  }
0x4b: {  	s0 =	sor.u32 s28, s0  }
0x4c: {  	[tilespmem:s0+$0xC600] =	vst v0;
	s0 =	simm.s32 $0x86C0  }
0x4d: {  	v0 =	vld [tilespmem:s0+$0x10]  }
0x4e: {  	v1 =	vld [tilespmem:s0+$0xFFFFFFD0]  }
0x4f: {  	v3 =	vld [tilespmem:s0+$0x0]  }
0x50: {  	s24 =	simm.s32 $0x46C0;
	v4 =	vld [tilespmem:s0+$0xFFFFFFC0]  }
0x51: {  	v2 =	vld [tilespmem:s24+$0xFFFFFFE0]  }
0x52: {  	s23 =	simm.s32 $0x6C0;
	v5 =	vld [tilespmem:s24+$0xFFFFFFC0]  }
0x53: {  	v6 =	vld [tilespmem:s23+$0xFFFFFFC0]  }
0x54: {  	v7 =	vld [tilespmem:s24+$0x0]  }
0x55: {  	s25 =	simm.s32 $0x80;
	s1 =	simm.s32 $0x40;
	s22 =	simm.s32 $0x0;
	v8 =	vld [tilespmem:s23+$0x0]  }
.LBB2_2:
0x56: {  	p0 =	sne.s32 s25, $0x1FC0;
	v9 =	vld [tilespmem:s24+$0xFFFFFFD0]  }
0x57: {  	v10 =	vld [tilespmem:s23+$0xFFFFFFD0]  }
0x58: {  	v11 =	vld [tilespmem:s24+$0x10]  }
0x59: {  	v12 =	vld [tilespmem:s23+$0x10]  }
0x5a: {  	v13 =	vmul.f32 v5, v6;
	v14 =	vmul.f32 v7, v8;
	v15 =	vld [tilespmem:s23+$0xFFFFFFE0]  }
0x5b: {  	v16 =	vld [tilespmem:s24+$0x20]  }
0x5c: {  	v6 =	vmul.f32 v7, v6;
	v5 =	vmul.f32 v5, v8;
	v13 =	vadd.f32 v14, v13;
	v7 =	vld [tilespmem:s23+$0x20]  }
0x5d: {  	v8 =	vmul.f32 v9, v10;
	v14 =	vld [tilespmem:s24+$0xFFFFFFF0]  }
0x5e: {  	v5 =	vsub.f32 v6, v5;
	v4 =	vmul.f32 v13, v4;
	v6 =	vmul.f32 v11, v12;
	v13 =	vld [tilespmem:s23+$0xFFFFFFF0]  }
0x5f: {  	v10 =	vmul.f32 v11, v10;
	v9 =	vmul.f32 v9, v12;
	v11 =	vld [tilespmem:s24+$0x30]  }
0x60: {  	v3 =	vmul.f32 v5, v3;
	v4 =	vadd.f32 $0.0e+00, v4;
	v5 =	vadd.f32 v6, v8;
	v6 =	vld [tilespmem:s23+$0x30]  }
0x61: {  	v12 =	vmul.f32 v2, v15;
	v8 =	vld [tilespmem:s0+$0xFFFFFFE0];
	v17 =	vmul.f32 v16, v7  }
0x62: {  	v3 =	vadd.f32 v4, v3;
	v1 =	vmul.f32 v5, v1;
	v4 =	vsub.f32 v10, v9  }
0x63: {  	v2 =	vmul.f32 v2, v7;
	v9 =	vmul.f32 v16, v15;
	v5 =	vld [tilespmem:s0+$0x20]  }
0x64: {  	v1 =	vadd.f32 v1, v3;
	v0 =	vmul.f32 v4, v0;
	v3 =	vadd.f32 v17, v12  }
0x65: {  	v7 =	vmul.f32 v14, v13;
	v4 =	vld [tilespmem:s0+$0xFFFFFFF0];
	v10 =	vmul.f32 v11, v6  }
0x66: {  	v2 =	vsub.f32 v9, v2;
	v0 =	vadd.f32 v1, v0;
	v1 =	vmul.f32 v3, v8  }
0x67: {  	v6 =	vmul.f32 v14, v6;
	v8 =	vmul.f32 v11, v13;
	v3 =	vld [tilespmem:s0+$0x30]  }
0x68: {  	v0 =	vadd.f32 v1, v0;
	v1 =	vmul.f32 v2, v5;
	v2 =	vadd.f32 v10, v7;
	_ =	sdelay $0x1  }
0x69: {  	v0 =	vadd.f32 v0, v1;
	v1 =	vmul.f32 v2, v4;
	v2 =	vsub.f32 v8, v6;
	_ =	sdelay $0x1  }
0x6a: {  	v0 =	vadd.f32 v1, v0;
	v1 =	vmul.f32 v2, v3  }
0x6b: {  	s26 =	sand.u32 $0x1E00, s1;
	s22 =	sadd.s32 $0x10, s22;
	s1 =	smov.u32 s25  }
0x6c: {  	s28 =	sand.u32 $0x70, s22;
	s26 =	sshrl.u32 s26, $0x2;
	v0 =	vadd.f32 v0, v1  }
0x6d: {  	s26 =	sor.u32 s28, s26  }
0x6e: {  	s0 =	sadd.s32 $0x80, s0;
	[tilespmem:s26+$0xC600] =	vst v0  }
0x6f: {  	v0 =	vld [tilespmem:s0+$0x10]  }
0x70: {  	v1 =	vld [tilespmem:s0+$0xFFFFFFD0]  }
0x71: {  	v3 =	vld [tilespmem:s0+$0x0]  }
0x72: {  	s24 =	sadd.s32 $0x80, s24;
	v4 =	vld [tilespmem:s0+$0xFFFFFFC0]  }
.Ltmp0:
0x73: {  	v2 =	vld [tilespmem:s24+$0xFFFFFFE0];
	(pc) =	sbr.rel @p0 .LBB2_2-.Ltmp0, $4  }
0x74: {  	s23 =	sadd.s32 $0x80, s23;
	v5 =	vld [tilespmem:s24+$0xFFFFFFC0]  }
0x75: {  	v6 =	vld [tilespmem:s23+$0xFFFFFFC0]  }
0x76: {  	v7 =	vld [tilespmem:s24+$0x0]  }
0x77: {  	s25 =	sadd.s32 $0x40, s25;
	v8 =	vld [tilespmem:s23+$0x0]  }
0x78: {  	v9 =	vld [tilespmem:s24+$0xFFFFFFD0]  }
0x79: {  	v10 =	vld [tilespmem:s23+$0xFFFFFFD0]  }
0x7a: {  	v11 =	vld [tilespmem:s24+$0x10]  }
0x7b: {  	v12 =	vld [tilespmem:s23+$0x10]  }
0x7c: {  	v15 =	vld [tilespmem:s23+$0xFFFFFFE0];
	v13 =	vmul.f32 v5, v6;
	v14 =	vmul.f32 v7, v8  }
0x7d: {  	v16 =	vld [tilespmem:s24+$0x20]  }
0x7e: {  	v6 =	vmul.f32 v7, v6;
	v5 =	vmul.f32 v5, v8;
	v7 =	vld [tilespmem:s23+$0x20];
	v13 =	vadd.f32 v14, v13  }
0x7f: {  	v52 =	vld [tilespmem:s24+$0xFFFFFFF0];
	v8 =	vmul.f32 v9, v10  }
0x80: {  	v53 =	vld [tilespmem:s23+$0xFFFFFFF0];
	v5 =	vsub.f32 v6, v5;
	v6 =	vmul.f32 v11, v12;
	v4 =	vmul.f32 v13, v4  }
0x81: {  	v10 =	vmul.f32 v11, v10;
	v9 =	vmul.f32 v9, v12;
	v11 =	vld [tilespmem:s24+$0x30]  }
0x82: {  	v3 =	vmul.f32 v5, v3;
	v5 =	vadd.f32 v6, v8;
	v6 =	vld [tilespmem:s23+$0x30];
	v4 =	vadd.f32 $0.0e+00, v4  }
0x83: {  	v54 =	vmul.f32 v2, v15;
	v8 =	vld [tilespmem:s0+$0xFFFFFFE0];
	v17 =	vmul.f32 v16, v7  }
0x84: {  	v1 =	vmul.f32 v5, v1;
	v3 =	vadd.f32 v4, v3;
	v4 =	vsub.f32 v10, v9  }
0x85: {  	v2 =	vmul.f32 v2, v7;
	v5 =	vld [tilespmem:s0+$0x20];
	v9 =	vmul.f32 v16, v15  }
0x86: {  	v1 =	vadd.f32 v1, v3;
	v0 =	vmul.f32 v4, v0;
	v3 =	vadd.f32 v17, v54  }
0x87: {  	v7 =	vmul.f32 v52, v53;
	v10 =	vmul.f32 v11, v6;
	v4 =	vld [tilespmem:s0+$0xFFFFFFF0]  }
0x88: {  	v2 =	vsub.f32 v9, v2;
	v0 =	vadd.f32 v1, v0;
	v1 =	vmul.f32 v3, v8  }
0x89: {  	v6 =	vmul.f32 v52, v6;
	v3 =	vld [tilespmem:s0+$0x30];
	v8 =	vmul.f32 v11, v53  }
0x8a: {  	v0 =	vadd.f32 v1, v0;
	v1 =	vmul.f32 v2, v5;
	v2 =	vadd.f32 v10, v7;
	_ =	sdelay $0x1  }
0x8b: {  	v0 =	vadd.f32 v0, v1;
	v1 =	vmul.f32 v2, v4;
	v2 =	vsub.f32 v8, v6;
	_ =	sdelay $0x1  }
0x8c: {  	v0 =	vadd.f32 v1, v0;
	v1 =	vmul.f32 v2, v3  }
0x8d: {  	s24 =	sadd.s32 $0x10, s22;
	s23 =	sand.u32 $0x1E00, s1  }
0x8e: {  	s1 =	sand.u32 $0x70, s24;
	s0 =	sshrl.u32 s23, $0x2;
	v0 =	vadd.f32 v0, v1  }
0x8f: {  	s0 =	sor.u32 s1, s0  }
0x90: {  	[tilespmem:s0+$0xC600] =	vst v0;
	s0 =	simm.s32 $0x0  }
0x91: {  	[hbm4b:s8+s0] =	stream.linear.scatter [tilespmem:s21], [sflag:$0x2], $0x800, $0x38;
	[tilespmem:$0xCE00] =	vst v63  }
0x92: {  	_ =	swait.ge [sflag:s13], $0x800  }
0x93: {  	[sflag:s13] =	ssyncset.done $0x0  }
0x94: {  	[sflag:s13] =	ssyncadd.s32 $0xFFFFF800  }
0x95: {  	[tilespmem:s17], [sflag:$0x1] =	stream.indirect.gather [hbm4b:s3+s16], $0x80, s16, s16, $0xb8;
	[tilespmem:$0xCE00] =	vst v63  }
0x96: {  	s25 =	simm.s32 $0x480  }
0x97: {  	[tilespmem:s18], [sflag:$0x1] =	stream.indirect.gather [hbm4b:s3+s16], $0x80, s25, s16, $0xb8;
	[tilespmem:$0xCE00] =	vst v63  }
0x98: {  	s26 =	simm.s32 $0x280  }
0x99: {  	[tilespmem:s19], [sflag:$0x1] =	stream.indirect.gather [hbm4b:s4+s16], $0x80, s26, s16, $0xb8;
	[tilespmem:$0xCE00] =	vst v63  }
0x9a: {  	_ =	swait.ge [sflag:s20], $0x4000  }
0x9b: {  	[sflag:s20] =	ssyncset.done $0x0  }
0x9c: {  	[sflag:s20] =	ssyncadd.s32 $0xFFFFC000  }
0x9d: {  	_ =	swait.ge [sflag:s20], $0x4000  }
0x9e: {  	[sflag:s20] =	ssyncset.done $0x0  }
0x9f: {  	[sflag:s20] =	ssyncadd.s32 $0xFFFFC000  }
0xa0: {  	_ =	swait.ge [sflag:s20], $0x4000  }
0xa1: {  	[sflag:s20] =	ssyncset.done $0x0  }
0xa2: {  	s28 =	simm.s32 $0x8640;
	[sflag:s20] =	ssyncadd.s32 $0xFFFFC000  }
0xa3: {  	v0 =	vld [tilespmem:s28+$0x10]  }
0xa4: {  	v1 =	vld [tilespmem:s28+$0xFFFFFFD0]  }
0xa5: {  	v2 =	vld [tilespmem:s28+$0x0]  }
0xa6: {  	s24 =	simm.s32 $0x4640;
	v3 =	vld [tilespmem:s28+$0xFFFFFFC0]  }
0xa7: {  	v4 =	vld [tilespmem:s24+$0xFFFFFFE0]  }
0xa8: {  	s25 =	simm.s32 $0x640;
	v5 =	vld [tilespmem:s24+$0xFFFFFFC0]  }
0xa9: {  	v6 =	vld [tilespmem:s25+$0xFFFFFFC0]  }
0xaa: {  	v7 =	vld [tilespmem:s24+$0x0]  }
0xab: {  	v8 =	vld [tilespmem:s25+$0x0]  }
0xac: {  	v9 =	vld [tilespmem:s24+$0xFFFFFFD0]  }
0xad: {  	v10 =	vld [tilespmem:s25+$0xFFFFFFD0]  }
0xae: {  	v11 =	vld [tilespmem:s24+$0x10]  }
0xaf: {  	v55 =	vld [tilespmem:s25+$0x10]  }
0xb0: {  	v58 =	vld [tilespmem:s25+$0xFFFFFFE0];
	v56 =	vmul.f32 v5, v6;
	v57 =	vmul.f32 v7, v8  }
0xb1: {  	v59 =	vld [tilespmem:s24+$0x20]  }
0xb2: {  	v6 =	vmul.f32 v7, v6;
	v5 =	vmul.f32 v5, v8;
	v7 =	vld [tilespmem:s25+$0x20];
	v13 =	vadd.f32 v57, v56  }
0xb3: {  	v60 =	vld [tilespmem:s24+$0xFFFFFFF0];
	v8 =	vmul.f32 v9, v10  }
0xb4: {  	v61 =	vld [tilespmem:s25+$0xFFFFFFF0];
	v5 =	vsub.f32 v6, v5;
	v6 =	vmul.f32 v11, v55;
	v3 =	vmul.f32 v13, v3  }
0xb5: {  	v10 =	vmul.f32 v11, v10;
	v9 =	vmul.f32 v9, v55;
	v11 =	vld [tilespmem:s24+$0x30]  }
0xb6: {  	v2 =	vmul.f32 v5, v2;
	v5 =	vadd.f32 v6, v8;
	v6 =	vld [tilespmem:s25+$0x30];
	v3 =	vadd.f32 $0.0e+00, v3  }
0xb7: {  	v62 =	vmul.f32 v4, v58;
	v8 =	vld [tilespmem:s28+$0xFFFFFFE0];
	v63 =	vmul.f32 v59, v7  }
0xb8: {  	v1 =	vmul.f32 v5, v1;
	v2 =	vadd.f32 v3, v2;
	v3 =	vsub.f32 v10, v9  }
0xb9: {  	v4 =	vmul.f32 v4, v7;
	v5 =	vld [tilespmem:s28+$0x20];
	v9 =	vmul.f32 v59, v58  }
0xba: {  	v1 =	vadd.f32 v1, v2;
	v0 =	vmul.f32 v3, v0;
	v2 =	vadd.f32 v63, v62  }
0xbb: {  	v7 =	vmul.f32 v60, v61;
	v10 =	vmul.f32 v11, v6;
	v3 =	vld [tilespmem:s28+$0xFFFFFFF0]  }
0xbc: {  	v0 =	vadd.f32 v1, v0;
	v1 =	vmul.f32 v2, v8;
	v2 =	vsub.f32 v9, v4  }
0xbd: {  	v6 =	vmul.f32 v60, v6;
	v4 =	vld [tilespmem:s28+$0x30];
	v8 =	vmul.f32 v11, v61  }
0xbe: {  	v0 =	vadd.f32 v1, v0;
	v1 =	vmul.f32 v2, v5;
	v2 =	vadd.f32 v10, v7;
	_ =	sdelay $0x1  }
0xbf: {  	v0 =	vadd.f32 v0, v1;
	v1 =	vmul.f32 v2, v3;
	v2 =	vsub.f32 v8, v6;
	_ =	sdelay $0x1  }
0xc0: {  	v0 =	vadd.f32 v1, v0;
	v1 =	vmul.f32 v2, v4  }
0xc1: {  	s26 =	sand.u32 $0x1E00, s0  }
0xc2: {  	s1 =	sshrl.u32 s26, $0x2;
	s28 =	sand.u32 $0x70, s0;
	v0 =	vadd.f32 v0, v1  }
0xc3: {  	s1 =	sor.u32 s28, s1  }
0xc4: {  	[tilespmem:s1+$0xC600] =	vst v0;
	s1 =	simm.s32 $0x86C0  }
0xc5: {  	v0 =	vld [tilespmem:s1+$0x10]  }
0xc6: {  	v1 =	vld [tilespmem:s1+$0xFFFFFFD0]  }
0xc7: {  	v3 =	vld [tilespmem:s1+$0x0]  }
0xc8: {  	s24 =	simm.s32 $0x46C0;
	v4 =	vld [tilespmem:s1+$0xFFFFFFC0]  }
0xc9: {  	v2 =	vld [tilespmem:s24+$0xFFFFFFE0]  }
0xca: {  	s23 =	simm.s32 $0x6C0;
	v5 =	vld [tilespmem:s24+$0xFFFFFFC0]  }
0xcb: {  	v6 =	vld [tilespmem:s23+$0xFFFFFFC0]  }
0xcc: {  	v7 =	vld [tilespmem:s24+$0x0]  }
0xcd: {  	s22 =	simm.s32 $0x40;
	s25 =	simm.s32 $0x80;
	v8 =	vld [tilespmem:s23+$0x0]  }
.LBB2_4:
0xce: {  	p0 =	sne.s32 s25, $0x1FC0;
	v9 =	vld [tilespmem:s24+$0xFFFFFFD0]  }
0xcf: {  	v10 =	vld [tilespmem:s23+$0xFFFFFFD0]  }
0xd0: {  	v11 =	vld [tilespmem:s24+$0x10]  }
0xd1: {  	v12 =	vld [tilespmem:s23+$0x10]  }
0xd2: {  	v13 =	vmul.f32 v5, v6;
	v14 =	vmul.f32 v7, v8;
	v15 =	vld [tilespmem:s23+$0xFFFFFFE0]  }
0xd3: {  	v16 =	vld [tilespmem:s24+$0x20]  }
0xd4: {  	v6 =	vmul.f32 v7, v6;
	v5 =	vmul.f32 v5, v8;
	v13 =	vadd.f32 v14, v13;
	v7 =	vld [tilespmem:s23+$0x20]  }
0xd5: {  	v8 =	vmul.f32 v9, v10;
	v14 =	vld [tilespmem:s24+$0xFFFFFFF0]  }
0xd6: {  	v5 =	vsub.f32 v6, v5;
	v4 =	vmul.f32 v13, v4;
	v6 =	vmul.f32 v11, v12;
	v13 =	vld [tilespmem:s23+$0xFFFFFFF0]  }
0xd7: {  	v10 =	vmul.f32 v11, v10;
	v9 =	vmul.f32 v9, v12;
	v11 =	vld [tilespmem:s24+$0x30]  }
0xd8: {  	v3 =	vmul.f32 v5, v3;
	v4 =	vadd.f32 $0.0e+00, v4;
	v5 =	vadd.f32 v6, v8;
	v6 =	vld [tilespmem:s23+$0x30]  }
0xd9: {  	v12 =	vmul.f32 v2, v15;
	v8 =	vld [tilespmem:s1+$0xFFFFFFE0];
	v17 =	vmul.f32 v16, v7  }
0xda: {  	v3 =	vadd.f32 v4, v3;
	v1 =	vmul.f32 v5, v1;
	v4 =	vsub.f32 v10, v9  }
0xdb: {  	v2 =	vmul.f32 v2, v7;
	v9 =	vmul.f32 v16, v15;
	v5 =	vld [tilespmem:s1+$0x20]  }
0xdc: {  	v1 =	vadd.f32 v1, v3;
	v0 =	vmul.f32 v4, v0;
	v3 =	vadd.f32 v17, v12  }
0xdd: {  	v7 =	vmul.f32 v14, v13;
	v4 =	vld [tilespmem:s1+$0xFFFFFFF0];
	v10 =	vmul.f32 v11, v6  }
0xde: {  	v2 =	vsub.f32 v9, v2;
	v0 =	vadd.f32 v1, v0;
	v1 =	vmul.f32 v3, v8  }
0xdf: {  	v6 =	vmul.f32 v14, v6;
	v8 =	vmul.f32 v11, v13;
	v3 =	vld [tilespmem:s1+$0x30]  }
0xe0: {  	v0 =	vadd.f32 v1, v0;
	v1 =	vmul.f32 v2, v5;
	v2 =	vadd.f32 v10, v7;
	_ =	sdelay $0x1  }
0xe1: {  	v0 =	vadd.f32 v0, v1;
	v1 =	vmul.f32 v2, v4;
	v2 =	vsub.f32 v8, v6;
	_ =	sdelay $0x1  }
0xe2: {  	v0 =	vadd.f32 v1, v0;
	v1 =	vmul.f32 v2, v3  }
0xe3: {  	s26 =	sand.u32 $0x1E00, s22;
	s0 =	sadd.s32 $0x10, s0;
	s22 =	smov.u32 s25  }
0xe4: {  	s28 =	sand.u32 $0x70, s0;
	s26 =	sshrl.u32 s26, $0x2;
	v0 =	vadd.f32 v0, v1  }
0xe5: {  	s26 =	sor.u32 s28, s26  }
0xe6: {  	s1 =	sadd.s32 $0x80, s1;
	[tilespmem:s26+$0xC600] =	vst v0  }
0xe7: {  	v0 =	vld [tilespmem:s1+$0x10]  }
0xe8: {  	v1 =	vld [tilespmem:s1+$0xFFFFFFD0]  }
0xe9: {  	v3 =	vld [tilespmem:s1+$0x0]  }
0xea: {  	s24 =	sadd.s32 $0x80, s24;
	v4 =	vld [tilespmem:s1+$0xFFFFFFC0]  }
.Ltmp1:
0xeb: {  	v2 =	vld [tilespmem:s24+$0xFFFFFFE0];
	(pc) =	sbr.rel @p0 .LBB2_4-.Ltmp1, $4  }
0xec: {  	s23 =	sadd.s32 $0x80, s23;
	v5 =	vld [tilespmem:s24+$0xFFFFFFC0]  }
0xed: {  	v6 =	vld [tilespmem:s23+$0xFFFFFFC0]  }
0xee: {  	v7 =	vld [tilespmem:s24+$0x0]  }
0xef: {  	s25 =	sadd.s32 $0x40, s25;
	v8 =	vld [tilespmem:s23+$0x0]  }
0xf0: {  	v9 =	vld [tilespmem:s24+$0xFFFFFFD0]  }
0xf1: {  	v10 =	vld [tilespmem:s23+$0xFFFFFFD0]  }
0xf2: {  	v11 =	vld [tilespmem:s24+$0x10]  }
0xf3: {  	v12 =	vld [tilespmem:s23+$0x10]  }
0xf4: {  	v15 =	vld [tilespmem:s23+$0xFFFFFFE0];
	v13 =	vmul.f32 v5, v6;
	v14 =	vmul.f32 v7, v8  }
0xf5: {  	v16 =	vld [tilespmem:s24+$0x20]  }
0xf6: {  	v6 =	vmul.f32 v7, v6;
	v5 =	vmul.f32 v5, v8;
	v7 =	vld [tilespmem:s23+$0x20];
	v13 =	vadd.f32 v14, v13  }
0xf7: {  	v52 =	vld [tilespmem:s24+$0xFFFFFFF0];
	v8 =	vmul.f32 v9, v10  }
0xf8: {  	v53 =	vld [tilespmem:s23+$0xFFFFFFF0];
	v5 =	vsub.f32 v6, v5;
	v6 =	vmul.f32 v11, v12;
	v4 =	vmul.f32 v13, v4  }
0xf9: {  	v10 =	vmul.f32 v11, v10;
	v9 =	vmul.f32 v9, v12;
	v11 =	vld [tilespmem:s24+$0x30]  }
0xfa: {  	v3 =	vmul.f32 v5, v3;
	v5 =	vadd.f32 v6, v8;
	v6 =	vld [tilespmem:s23+$0x30];
	v4 =	vadd.f32 $0.0e+00, v4  }
0xfb: {  	v54 =	vmul.f32 v2, v15;
	v8 =	vld [tilespmem:s1+$0xFFFFFFE0];
	v17 =	vmul.f32 v16, v7  }
0xfc: {  	v1 =	vmul.f32 v5, v1;
	v3 =	vadd.f32 v4, v3;
	v4 =	vsub.f32 v10, v9  }
0xfd: {  	v2 =	vmul.f32 v2, v7;
	v5 =	vld [tilespmem:s1+$0x20];
	v9 =	vmul.f32 v16, v15  }
0xfe: {  	v1 =	vadd.f32 v1, v3;
	v0 =	vmul.f32 v4, v0;
	v3 =	vadd.f32 v17, v54  }
0xff: {  	v7 =	vmul.f32 v52, v53;
	v10 =	vmul.f32 v11, v6;
	v4 =	vld [tilespmem:s1+$0xFFFFFFF0]  }
0x100: {  	v2 =	vsub.f32 v9, v2;
	v0 =	vadd.f32 v1, v0;
	v1 =	vmul.f32 v3, v8  }
0x101: {  	v6 =	vmul.f32 v52, v6;
	v3 =	vld [tilespmem:s1+$0x30];
	v8 =	vmul.f32 v11, v53  }
0x102: {  	v0 =	vadd.f32 v1, v0;
	v1 =	vmul.f32 v2, v5;
	v2 =	vadd.f32 v10, v7;
	_ =	sdelay $0x1  }
0x103: {  	v0 =	vadd.f32 v0, v1;
	v1 =	vmul.f32 v2, v4;
	v2 =	vsub.f32 v8, v6;
	_ =	sdelay $0x1  }
0x104: {  	v0 =	vadd.f32 v1, v0;
	v1 =	vmul.f32 v2, v3  }
0x105: {  	s0 =	sadd.s32 $0x10, s0;
	s23 =	sand.u32 $0x1E00, s22  }
0x106: {  	s0 =	sand.u32 $0x70, s0;
	s1 =	sshrl.u32 s23, $0x2;
	v0 =	vadd.f32 v0, v1  }
0x107: {  	s0 =	sor.u32 s0, s1  }
0x108: {  	[tilespmem:s0+$0xC600] =	vst v0;
	s0 =	simm.s32 $0x0  }
0x109: {  	[hbm4b:s9+s0] =	stream.linear.scatter [tilespmem:s21], [sflag:$0x2], $0x800, $0x38;
	[tilespmem:$0xCE00] =	vst v63  }
0x10a: {  	_ =	swait.ge [sflag:s13], $0x800  }
0x10b: {  	[sflag:s13] =	ssyncset.done $0x0  }
0x10c: {  	s24 =	simm.s32 $0x100;
	[sflag:s13] =	ssyncadd.s32 $0xFFFFF800  }
0x10d: {  	[tilespmem:s17], [sflag:$0x1] =	stream.indirect.gather [hbm4b:s3+s16], $0x80, s24, s16, $0xb8;
	[tilespmem:$0xCE00] =	vst v63  }
0x10e: {  	s25 =	simm.s32 $0x500  }
0x10f: {  	[tilespmem:s18], [sflag:$0x1] =	stream.indirect.gather [hbm4b:s3+s16], $0x80, s25, s16, $0xb8;
	[tilespmem:$0xCE00] =	vst v63  }
0x110: {  	s26 =	simm.s32 $0x300  }
0x111: {  	[tilespmem:s19], [sflag:$0x1] =	stream.indirect.gather [hbm4b:s4+s16], $0x80, s26, s16, $0xb8;
	[tilespmem:$0xCE00] =	vst v63  }
0x112: {  	_ =	swait.ge [sflag:s20], $0x4000  }
0x113: {  	[sflag:s20] =	ssyncset.done $0x0  }
0x114: {  	[sflag:s20] =	ssyncadd.s32 $0xFFFFC000  }
0x115: {  	_ =	swait.ge [sflag:s20], $0x4000  }
0x116: {  	[sflag:s20] =	ssyncset.done $0x0  }
0x117: {  	[sflag:s20] =	ssyncadd.s32 $0xFFFFC000  }
0x118: {  	_ =	swait.ge [sflag:s20], $0x4000  }
0x119: {  	[sflag:s20] =	ssyncset.done $0x0  }
0x11a: {  	s28 =	simm.s32 $0x8640;
	[sflag:s20] =	ssyncadd.s32 $0xFFFFC000  }
0x11b: {  	v0 =	vld [tilespmem:s28+$0x10]  }
0x11c: {  	v1 =	vld [tilespmem:s28+$0xFFFFFFD0]  }
0x11d: {  	v2 =	vld [tilespmem:s28+$0x0]  }
0x11e: {  	s24 =	simm.s32 $0x4640;
	v3 =	vld [tilespmem:s28+$0xFFFFFFC0]  }
0x11f: {  	v4 =	vld [tilespmem:s24+$0xFFFFFFE0]  }
0x120: {  	s25 =	simm.s32 $0x640;
	v5 =	vld [tilespmem:s24+$0xFFFFFFC0]  }
0x121: {  	v6 =	vld [tilespmem:s25+$0xFFFFFFC0]  }
0x122: {  	v7 =	vld [tilespmem:s24+$0x0]  }
0x123: {  	v8 =	vld [tilespmem:s25+$0x0]  }
0x124: {  	v9 =	vld [tilespmem:s24+$0xFFFFFFD0]  }
0x125: {  	v10 =	vld [tilespmem:s25+$0xFFFFFFD0]  }
0x126: {  	v11 =	vld [tilespmem:s24+$0x10]  }
0x127: {  	v55 =	vld [tilespmem:s25+$0x10]  }
0x128: {  	v58 =	vld [tilespmem:s25+$0xFFFFFFE0];
	v56 =	vmul.f32 v5, v6;
	v57 =	vmul.f32 v7, v8  }
0x129: {  	v59 =	vld [tilespmem:s24+$0x20]  }
0x12a: {  	v6 =	vmul.f32 v7, v6;
	v5 =	vmul.f32 v5, v8;
	v7 =	vld [tilespmem:s25+$0x20];
	v13 =	vadd.f32 v57, v56  }
0x12b: {  	v60 =	vld [tilespmem:s24+$0xFFFFFFF0];
	v8 =	vmul.f32 v9, v10  }
0x12c: {  	v61 =	vld [tilespmem:s25+$0xFFFFFFF0];
	v5 =	vsub.f32 v6, v5;
	v6 =	vmul.f32 v11, v55;
	v3 =	vmul.f32 v13, v3  }
0x12d: {  	v10 =	vmul.f32 v11, v10;
	v9 =	vmul.f32 v9, v55;
	v11 =	vld [tilespmem:s24+$0x30]  }
0x12e: {  	v2 =	vmul.f32 v5, v2;
	v5 =	vadd.f32 v6, v8;
	v6 =	vld [tilespmem:s25+$0x30];
	v3 =	vadd.f32 $0.0e+00, v3  }
0x12f: {  	v62 =	vmul.f32 v4, v58;
	v8 =	vld [tilespmem:s28+$0xFFFFFFE0];
	v63 =	vmul.f32 v59, v7  }
0x130: {  	v1 =	vmul.f32 v5, v1;
	v2 =	vadd.f32 v3, v2;
	v3 =	vsub.f32 v10, v9  }
0x131: {  	v4 =	vmul.f32 v4, v7;
	v5 =	vld [tilespmem:s28+$0x20];
	v9 =	vmul.f32 v59, v58  }
0x132: {  	v1 =	vadd.f32 v1, v2;
	v0 =	vmul.f32 v3, v0;
	v2 =	vadd.f32 v63, v62  }
0x133: {  	v7 =	vmul.f32 v60, v61;
	v10 =	vmul.f32 v11, v6;
	v3 =	vld [tilespmem:s28+$0xFFFFFFF0]  }
0x134: {  	v0 =	vadd.f32 v1, v0;
	v1 =	vmul.f32 v2, v8;
	v2 =	vsub.f32 v9, v4  }
0x135: {  	v6 =	vmul.f32 v60, v6;
	v4 =	vld [tilespmem:s28+$0x30];
	v8 =	vmul.f32 v11, v61  }
0x136: {  	v0 =	vadd.f32 v1, v0;
	v1 =	vmul.f32 v2, v5;
	v2 =	vadd.f32 v10, v7;
	_ =	sdelay $0x1  }
0x137: {  	v0 =	vadd.f32 v0, v1;
	v1 =	vmul.f32 v2, v3;
	v2 =	vsub.f32 v8, v6;
	_ =	sdelay $0x1  }
0x138: {  	v0 =	vadd.f32 v1, v0;
	v1 =	vmul.f32 v2, v4  }
0x139: {  	s26 =	sand.u32 $0x1E00, s0  }
0x13a: {  	s1 =	sshrl.u32 s26, $0x2;
	s28 =	sand.u32 $0x70, s0;
	v0 =	vadd.f32 v0, v1  }
0x13b: {  	s1 =	sor.u32 s28, s1  }
0x13c: {  	[tilespmem:s1+$0xC600] =	vst v0;
	s1 =	simm.s32 $0x86C0  }
0x13d: {  	v0 =	vld [tilespmem:s1+$0x10]  }
0x13e: {  	v1 =	vld [tilespmem:s1+$0xFFFFFFD0]  }
0x13f: {  	v3 =	vld [tilespmem:s1+$0x0]  }
0x140: {  	s24 =	simm.s32 $0x46C0;
	v4 =	vld [tilespmem:s1+$0xFFFFFFC0]  }
0x141: {  	v2 =	vld [tilespmem:s24+$0xFFFFFFE0]  }
0x142: {  	s23 =	simm.s32 $0x6C0;
	v5 =	vld [tilespmem:s24+$0xFFFFFFC0]  }
0x143: {  	v6 =	vld [tilespmem:s23+$0xFFFFFFC0]  }
0x144: {  	v7 =	vld [tilespmem:s24+$0x0]  }
0x145: {  	s22 =	simm.s32 $0x40;
	s25 =	simm.s32 $0x80;
	v8 =	vld [tilespmem:s23+$0x0]  }
.LBB2_6:
0x146: {  	p0 =	sne.s32 s25, $0x1FC0;
	v9 =	vld [tilespmem:s24+$0xFFFFFFD0]  }
0x147: {  	v10 =	vld [tilespmem:s23+$0xFFFFFFD0]  }
0x148: {  	v11 =	vld [tilespmem:s24+$0x10]  }
0x149: {  	v12 =	vld [tilespmem:s23+$0x10]  }
0x14a: {  	v13 =	vmul.f32 v5, v6;
	v14 =	vmul.f32 v7, v8;
	v15 =	vld [tilespmem:s23+$0xFFFFFFE0]  }
0x14b: {  	v16 =	vld [tilespmem:s24+$0x20]  }
0x14c: {  	v6 =	vmul.f32 v7, v6;
	v5 =	vmul.f32 v5, v8;
	v13 =	vadd.f32 v14, v13;
	v7 =	vld [tilespmem:s23+$0x20]  }
0x14d: {  	v8 =	vmul.f32 v9, v10;
	v14 =	vld [tilespmem:s24+$0xFFFFFFF0]  }
0x14e: {  	v5 =	vsub.f32 v6, v5;
	v4 =	vmul.f32 v13, v4;
	v6 =	vmul.f32 v11, v12;
	v13 =	vld [tilespmem:s23+$0xFFFFFFF0]  }
0x14f: {  	v10 =	vmul.f32 v11, v10;
	v9 =	vmul.f32 v9, v12;
	v11 =	vld [tilespmem:s24+$0x30]  }
0x150: {  	v3 =	vmul.f32 v5, v3;
	v4 =	vadd.f32 $0.0e+00, v4;
	v5 =	vadd.f32 v6, v8;
	v6 =	vld [tilespmem:s23+$0x30]  }
0x151: {  	v12 =	vmul.f32 v2, v15;
	v8 =	vld [tilespmem:s1+$0xFFFFFFE0];
	v17 =	vmul.f32 v16, v7  }
0x152: {  	v3 =	vadd.f32 v4, v3;
	v1 =	vmul.f32 v5, v1;
	v4 =	vsub.f32 v10, v9  }
0x153: {  	v2 =	vmul.f32 v2, v7;
	v9 =	vmul.f32 v16, v15;
	v5 =	vld [tilespmem:s1+$0x20]  }
0x154: {  	v1 =	vadd.f32 v1, v3;
	v0 =	vmul.f32 v4, v0;
	v3 =	vadd.f32 v17, v12  }
0x155: {  	v7 =	vmul.f32 v14, v13;
	v4 =	vld [tilespmem:s1+$0xFFFFFFF0];
	v10 =	vmul.f32 v11, v6  }
0x156: {  	v2 =	vsub.f32 v9, v2;
	v0 =	vadd.f32 v1, v0;
	v1 =	vmul.f32 v3, v8  }
0x157: {  	v6 =	vmul.f32 v14, v6;
	v8 =	vmul.f32 v11, v13;
	v3 =	vld [tilespmem:s1+$0x30]  }
0x158: {  	v0 =	vadd.f32 v1, v0;
	v1 =	vmul.f32 v2, v5;
	v2 =	vadd.f32 v10, v7;
	_ =	sdelay $0x1  }
0x159: {  	v0 =	vadd.f32 v0, v1;
	v1 =	vmul.f32 v2, v4;
	v2 =	vsub.f32 v8, v6;
	_ =	sdelay $0x1  }
0x15a: {  	v0 =	vadd.f32 v1, v0;
	v1 =	vmul.f32 v2, v3  }
0x15b: {  	s26 =	sand.u32 $0x1E00, s22;
	s0 =	sadd.s32 $0x10, s0;
	s22 =	smov.u32 s25  }
0x15c: {  	s28 =	sand.u32 $0x70, s0;
	s26 =	sshrl.u32 s26, $0x2;
	v0 =	vadd.f32 v0, v1  }
0x15d: {  	s26 =	sor.u32 s28, s26  }
0x15e: {  	s1 =	sadd.s32 $0x80, s1;
	[tilespmem:s26+$0xC600] =	vst v0  }
0x15f: {  	v0 =	vld [tilespmem:s1+$0x10]  }
0x160: {  	v1 =	vld [tilespmem:s1+$0xFFFFFFD0]  }
0x161: {  	v3 =	vld [tilespmem:s1+$0x0]  }
0x162: {  	s24 =	sadd.s32 $0x80, s24;
	v4 =	vld [tilespmem:s1+$0xFFFFFFC0]  }
.Ltmp2:
0x163: {  	v2 =	vld [tilespmem:s24+$0xFFFFFFE0];
	(pc) =	sbr.rel @p0 .LBB2_6-.Ltmp2, $4  }
0x164: {  	s23 =	sadd.s32 $0x80, s23;
	v5 =	vld [tilespmem:s24+$0xFFFFFFC0]  }
0x165: {  	v6 =	vld [tilespmem:s23+$0xFFFFFFC0]  }
0x166: {  	v7 =	vld [tilespmem:s24+$0x0]  }
0x167: {  	s25 =	sadd.s32 $0x40, s25;
	v8 =	vld [tilespmem:s23+$0x0]  }
0x168: {  	v9 =	vld [tilespmem:s24+$0xFFFFFFD0]  }
0x169: {  	v10 =	vld [tilespmem:s23+$0xFFFFFFD0]  }
0x16a: {  	v11 =	vld [tilespmem:s24+$0x10]  }
0x16b: {  	v12 =	vld [tilespmem:s23+$0x10]  }
0x16c: {  	v15 =	vld [tilespmem:s23+$0xFFFFFFE0];
	v13 =	vmul.f32 v5, v6;
	v14 =	vmul.f32 v7, v8  }
0x16d: {  	v16 =	vld [tilespmem:s24+$0x20]  }
0x16e: {  	v6 =	vmul.f32 v7, v6;
	v5 =	vmul.f32 v5, v8;
	v7 =	vld [tilespmem:s23+$0x20];
	v13 =	vadd.f32 v14, v13  }
0x16f: {  	v52 =	vld [tilespmem:s24+$0xFFFFFFF0];
	v8 =	vmul.f32 v9, v10  }
0x170: {  	v53 =	vld [tilespmem:s23+$0xFFFFFFF0];
	v5 =	vsub.f32 v6, v5;
	v6 =	vmul.f32 v11, v12;
	v4 =	vmul.f32 v13, v4  }
0x171: {  	v10 =	vmul.f32 v11, v10;
	v9 =	vmul.f32 v9, v12;
	v11 =	vld [tilespmem:s24+$0x30]  }
0x172: {  	v3 =	vmul.f32 v5, v3;
	v5 =	vadd.f32 v6, v8;
	v6 =	vld [tilespmem:s23+$0x30];
	v4 =	vadd.f32 $0.0e+00, v4  }
0x173: {  	v54 =	vmul.f32 v2, v15;
	v8 =	vld [tilespmem:s1+$0xFFFFFFE0];
	v17 =	vmul.f32 v16, v7  }
0x174: {  	v1 =	vmul.f32 v5, v1;
	v3 =	vadd.f32 v4, v3;
	v4 =	vsub.f32 v10, v9  }
0x175: {  	v2 =	vmul.f32 v2, v7;
	v5 =	vld [tilespmem:s1+$0x20];
	v9 =	vmul.f32 v16, v15  }
0x176: {  	v1 =	vadd.f32 v1, v3;
	v0 =	vmul.f32 v4, v0;
	v3 =	vadd.f32 v17, v54  }
0x177: {  	v7 =	vmul.f32 v52, v53;
	v10 =	vmul.f32 v11, v6;
	v4 =	vld [tilespmem:s1+$0xFFFFFFF0]  }
0x178: {  	v2 =	vsub.f32 v9, v2;
	v0 =	vadd.f32 v1, v0;
	v1 =	vmul.f32 v3, v8  }
0x179: {  	v6 =	vmul.f32 v52, v6;
	v3 =	vld [tilespmem:s1+$0x30];
	v8 =	vmul.f32 v11, v53  }
0x17a: {  	v0 =	vadd.f32 v1, v0;
	v1 =	vmul.f32 v2, v5;
	v2 =	vadd.f32 v10, v7;
	_ =	sdelay $0x1  }
0x17b: {  	v0 =	vadd.f32 v0, v1;
	v1 =	vmul.f32 v2, v4;
	v2 =	vsub.f32 v8, v6;
	_ =	sdelay $0x1  }
0x17c: {  	v0 =	vadd.f32 v1, v0;
	v1 =	vmul.f32 v2, v3  }
0x17d: {  	s25 =	sand.u32 $0x1E00, s22;
	s0 =	sadd.s32 $0x10, s0  }
0x17e: {  	s0 =	sand.u32 $0x70, s0;
	s1 =	sshrl.u32 s25, $0x2;
	v0 =	vadd.f32 v0, v1  }
0x17f: {  	s0 =	sor.u32 s0, s1  }
0x180: {  	[tilespmem:s0+$0xC600] =	vst v0;
	s0 =	simm.s32 $0x0  }
0x181: {  	[hbm4b:s10+s0] =	stream.linear.scatter [tilespmem:s21], [sflag:$0x2], $0x800, $0x38;
	[tilespmem:$0xCE00] =	vst v63  }
0x182: {  	_ =	swait.ge [sflag:s13], $0x800  }
0x183: {  	[sflag:s13] =	ssyncset.done $0x0  }
0x184: {  	s26 =	simm.s32 $0x180;
	[sflag:s13] =	ssyncadd.s32 $0xFFFFF800  }
0x185: {  	[tilespmem:s17], [sflag:$0x1] =	stream.indirect.gather [hbm4b:s3+s16], $0x80, s26, s16, $0xb8;
	[tilespmem:$0xCE00] =	vst v63  }
0x186: {  	_ = 	snop  }
0x187: {  	[tilespmem:s18], [sflag:$0x1] =	stream.indirect.gather [hbm4b:s3+s16], $0x80, s29, s16, $0xb8;
	[tilespmem:$0xCE00] =	vst v63  }
0x188: {  	_ = 	snop  }
0x189: {  	[tilespmem:s19], [sflag:$0x1] =	stream.indirect.gather [hbm4b:s4+s16], $0x80, s30, s16, $0xb8;
	[tilespmem:$0xCE00] =	vst v63  }
0x18a: {  	_ =	swait.ge [sflag:s20], $0x4000  }
0x18b: {  	[sflag:s20] =	ssyncset.done $0x0  }
0x18c: {  	[sflag:s20] =	ssyncadd.s32 $0xFFFFC000  }
0x18d: {  	_ =	swait.ge [sflag:s20], $0x4000  }
0x18e: {  	[sflag:s20] =	ssyncset.done $0x0  }
0x18f: {  	[sflag:s20] =	ssyncadd.s32 $0xFFFFC000  }
0x190: {  	_ =	swait.ge [sflag:s20], $0x4000  }
0x191: {  	[sflag:s20] =	ssyncset.done $0x0  }
0x192: {  	s28 =	simm.s32 $0x8640;
	[sflag:s20] =	ssyncadd.s32 $0xFFFFC000  }
0x193: {  	v0 =	vld [tilespmem:s28+$0x10]  }
0x194: {  	v1 =	vld [tilespmem:s28+$0xFFFFFFD0]  }
0x195: {  	v2 =	vld [tilespmem:s28+$0x0]  }
0x196: {  	s24 =	simm.s32 $0x4640;
	v3 =	vld [tilespmem:s28+$0xFFFFFFC0]  }
0x197: {  	v4 =	vld [tilespmem:s24+$0xFFFFFFE0]  }
0x198: {  	s25 =	simm.s32 $0x640;
	v5 =	vld [tilespmem:s24+$0xFFFFFFC0]  }
0x199: {  	v6 =	vld [tilespmem:s25+$0xFFFFFFC0]  }
0x19a: {  	v7 =	vld [tilespmem:s24+$0x0]  }
0x19b: {  	v8 =	vld [tilespmem:s25+$0x0]  }
0x19c: {  	v9 =	vld [tilespmem:s24+$0xFFFFFFD0]  }
0x19d: {  	v10 =	vld [tilespmem:s25+$0xFFFFFFD0]  }
0x19e: {  	v11 =	vld [tilespmem:s24+$0x10]  }
0x19f: {  	v55 =	vld [tilespmem:s25+$0x10]  }
0x1a0: {  	v58 =	vld [tilespmem:s25+$0xFFFFFFE0];
	v56 =	vmul.f32 v5, v6;
	v57 =	vmul.f32 v7, v8  }
0x1a1: {  	v59 =	vld [tilespmem:s24+$0x20]  }
0x1a2: {  	v6 =	vmul.f32 v7, v6;
	v5 =	vmul.f32 v5, v8;
	v7 =	vld [tilespmem:s25+$0x20];
	v13 =	vadd.f32 v57, v56  }
0x1a3: {  	v60 =	vld [tilespmem:s24+$0xFFFFFFF0];
	v8 =	vmul.f32 v9, v10  }
0x1a4: {  	v61 =	vld [tilespmem:s25+$0xFFFFFFF0];
	v5 =	vsub.f32 v6, v5;
	v6 =	vmul.f32 v11, v55;
	v3 =	vmul.f32 v13, v3  }
0x1a5: {  	v10 =	vmul.f32 v11, v10;
	v9 =	vmul.f32 v9, v55;
	v11 =	vld [tilespmem:s24+$0x30]  }
0x1a6: {  	v2 =	vmul.f32 v5, v2;
	v5 =	vadd.f32 v6, v8;
	v6 =	vld [tilespmem:s25+$0x30];
	v3 =	vadd.f32 $0.0e+00, v3  }
0x1a7: {  	v62 =	vmul.f32 v4, v58;
	v8 =	vld [tilespmem:s28+$0xFFFFFFE0];
	v63 =	vmul.f32 v59, v7  }
0x1a8: {  	v1 =	vmul.f32 v5, v1;
	v2 =	vadd.f32 v3, v2;
	v3 =	vsub.f32 v10, v9  }
0x1a9: {  	v4 =	vmul.f32 v4, v7;
	v5 =	vld [tilespmem:s28+$0x20];
	v9 =	vmul.f32 v59, v58  }
0x1aa: {  	v1 =	vadd.f32 v1, v2;
	v0 =	vmul.f32 v3, v0;
	v2 =	vadd.f32 v63, v62  }
0x1ab: {  	v7 =	vmul.f32 v60, v61;
	v10 =	vmul.f32 v11, v6;
	v3 =	vld [tilespmem:s28+$0xFFFFFFF0]  }
0x1ac: {  	v0 =	vadd.f32 v1, v0;
	v1 =	vmul.f32 v2, v8;
	v2 =	vsub.f32 v9, v4  }
0x1ad: {  	v6 =	vmul.f32 v60, v6;
	v4 =	vld [tilespmem:s28+$0x30];
	v8 =	vmul.f32 v11, v61  }
0x1ae: {  	v0 =	vadd.f32 v1, v0;
	v1 =	vmul.f32 v2, v5;
	v2 =	vadd.f32 v10, v7;
	_ =	sdelay $0x1  }
0x1af: {  	v0 =	vadd.f32 v0, v1;
	v1 =	vmul.f32 v2, v3;
	v2 =	vsub.f32 v8, v6;
	_ =	sdelay $0x1  }
0x1b0: {  	v0 =	vadd.f32 v1, v0;
	v1 =	vmul.f32 v2, v4  }
0x1b1: {  	s26 =	sand.u32 $0x1E00, s0  }
0x1b2: {  	s1 =	sshrl.u32 s26, $0x2;
	s28 =	sand.u32 $0x70, s0;
	v0 =	vadd.f32 v0, v1  }
0x1b3: {  	s1 =	sor.u32 s28, s1  }
0x1b4: {  	[tilespmem:s1+$0xC600] =	vst v0;
	s1 =	simm.s32 $0x86C0  }
0x1b5: {  	v0 =	vld [tilespmem:s1+$0x10]  }
0x1b6: {  	v1 =	vld [tilespmem:s1+$0xFFFFFFD0]  }
0x1b7: {  	v3 =	vld [tilespmem:s1+$0x0]  }
0x1b8: {  	s24 =	simm.s32 $0x46C0;
	v4 =	vld [tilespmem:s1+$0xFFFFFFC0]  }
0x1b9: {  	v2 =	vld [tilespmem:s24+$0xFFFFFFE0]  }
0x1ba: {  	s23 =	simm.s32 $0x6C0;
	v5 =	vld [tilespmem:s24+$0xFFFFFFC0]  }
0x1bb: {  	v6 =	vld [tilespmem:s23+$0xFFFFFFC0]  }
0x1bc: {  	v7 =	vld [tilespmem:s24+$0x0]  }
0x1bd: {  	s22 =	simm.s32 $0x40;
	s25 =	simm.s32 $0x80;
	v8 =	vld [tilespmem:s23+$0x0]  }
.LBB2_8:
0x1be: {  	p0 =	sne.s32 s25, $0x1FC0;
	v9 =	vld [tilespmem:s24+$0xFFFFFFD0]  }
0x1bf: {  	v10 =	vld [tilespmem:s23+$0xFFFFFFD0]  }
0x1c0: {  	v11 =	vld [tilespmem:s24+$0x10]  }
0x1c1: {  	v12 =	vld [tilespmem:s23+$0x10]  }
0x1c2: {  	v13 =	vmul.f32 v5, v6;
	v14 =	vmul.f32 v7, v8;
	v15 =	vld [tilespmem:s23+$0xFFFFFFE0]  }
0x1c3: {  	v16 =	vld [tilespmem:s24+$0x20]  }
0x1c4: {  	v6 =	vmul.f32 v7, v6;
	v5 =	vmul.f32 v5, v8;
	v13 =	vadd.f32 v14, v13;
	v7 =	vld [tilespmem:s23+$0x20]  }
0x1c5: {  	v8 =	vmul.f32 v9, v10;
	v14 =	vld [tilespmem:s24+$0xFFFFFFF0]  }
0x1c6: {  	v5 =	vsub.f32 v6, v5;
	v4 =	vmul.f32 v13, v4;
	v6 =	vmul.f32 v11, v12;
	v13 =	vld [tilespmem:s23+$0xFFFFFFF0]  }
0x1c7: {  	v10 =	vmul.f32 v11, v10;
	v9 =	vmul.f32 v9, v12;
	v11 =	vld [tilespmem:s24+$0x30]  }
0x1c8: {  	v3 =	vmul.f32 v5, v3;
	v4 =	vadd.f32 $0.0e+00, v4;
	v5 =	vadd.f32 v6, v8;
	v6 =	vld [tilespmem:s23+$0x30]  }
0x1c9: {  	v12 =	vmul.f32 v2, v15;
	v8 =	vld [tilespmem:s1+$0xFFFFFFE0];
	v17 =	vmul.f32 v16, v7  }
0x1ca: {  	v3 =	vadd.f32 v4, v3;
	v1 =	vmul.f32 v5, v1;
	v4 =	vsub.f32 v10, v9  }
0x1cb: {  	v2 =	vmul.f32 v2, v7;
	v9 =	vmul.f32 v16, v15;
	v5 =	vld [tilespmem:s1+$0x20]  }
0x1cc: {  	v1 =	vadd.f32 v1, v3;
	v0 =	vmul.f32 v4, v0;
	v3 =	vadd.f32 v17, v12  }
0x1cd: {  	v7 =	vmul.f32 v14, v13;
	v4 =	vld [tilespmem:s1+$0xFFFFFFF0];
	v10 =	vmul.f32 v11, v6  }
0x1ce: {  	v2 =	vsub.f32 v9, v2;
	v0 =	vadd.f32 v1, v0;
	v1 =	vmul.f32 v3, v8  }
0x1cf: {  	v6 =	vmul.f32 v14, v6;
	v8 =	vmul.f32 v11, v13;
	v3 =	vld [tilespmem:s1+$0x30]  }
0x1d0: {  	v0 =	vadd.f32 v1, v0;
	v1 =	vmul.f32 v2, v5;
	v2 =	vadd.f32 v10, v7;
	_ =	sdelay $0x1  }
0x1d1: {  	v0 =	vadd.f32 v0, v1;
	v1 =	vmul.f32 v2, v4;
	v2 =	vsub.f32 v8, v6;
	_ =	sdelay $0x1  }
0x1d2: {  	v0 =	vadd.f32 v1, v0;
	v1 =	vmul.f32 v2, v3  }
0x1d3: {  	s26 =	sand.u32 $0x1E00, s22;
	s0 =	sadd.s32 $0x10, s0;
	s22 =	smov.u32 s25  }
0x1d4: {  	s28 =	sand.u32 $0x70, s0;
	s26 =	sshrl.u32 s26, $0x2;
	v0 =	vadd.f32 v0, v1  }
0x1d5: {  	s26 =	sor.u32 s28, s26  }
0x1d6: {  	s1 =	sadd.s32 $0x80, s1;
	[tilespmem:s26+$0xC600] =	vst v0  }
0x1d7: {  	v0 =	vld [tilespmem:s1+$0x10]  }
0x1d8: {  	v1 =	vld [tilespmem:s1+$0xFFFFFFD0]  }
0x1d9: {  	v3 =	vld [tilespmem:s1+$0x0]  }
0x1da: {  	s24 =	sadd.s32 $0x80, s24;
	v4 =	vld [tilespmem:s1+$0xFFFFFFC0]  }
.Ltmp3:
0x1db: {  	v2 =	vld [tilespmem:s24+$0xFFFFFFE0];
	(pc) =	sbr.rel @p0 .LBB2_8-.Ltmp3, $4  }
0x1dc: {  	s23 =	sadd.s32 $0x80, s23;
	v5 =	vld [tilespmem:s24+$0xFFFFFFC0]  }
0x1dd: {  	v6 =	vld [tilespmem:s23+$0xFFFFFFC0]  }
0x1de: {  	v7 =	vld [tilespmem:s24+$0x0]  }
0x1df: {  	s25 =	sadd.s32 $0x40, s25;
	v8 =	vld [tilespmem:s23+$0x0]  }
0x1e0: {  	v9 =	vld [tilespmem:s24+$0xFFFFFFD0]  }
0x1e1: {  	v10 =	vld [tilespmem:s23+$0xFFFFFFD0]  }
0x1e2: {  	v11 =	vld [tilespmem:s24+$0x10]  }
0x1e3: {  	v12 =	vld [tilespmem:s23+$0x10]  }
0x1e4: {  	v15 =	vld [tilespmem:s23+$0xFFFFFFE0];
	v13 =	vmul.f32 v5, v6;
	v14 =	vmul.f32 v7, v8  }
0x1e5: {  	v16 =	vld [tilespmem:s24+$0x20]  }
0x1e6: {  	v38 =	vld [tilespmem:s23+$0x20];
	v36 =	vmul.f32 v7, v6;
	v37 =	vmul.f32 v5, v8;
	v13 =	vadd.f32 v14, v13  }
0x1e7: {  	v40 =	vld [tilespmem:s24+$0xFFFFFFF0];
	v39 =	vmul.f32 v9, v10  }
0x1e8: {  	v42 =	vld [tilespmem:s23+$0xFFFFFFF0];
	v41 =	vmul.f32 v11, v12;
	v5 =	vsub.f32 v36, v37;
	v4 =	vmul.f32 v13, v4  }
0x1e9: {  	v43 =	vld [tilespmem:s24+$0x30];
	v10 =	vmul.f32 v11, v10;
	v9 =	vmul.f32 v9, v12  }
0x1ea: {  	v45 =	vld [tilespmem:s23+$0x30];
	v44 =	vadd.f32 v41, v39;
	v3 =	vmul.f32 v5, v3;
	v4 =	vadd.f32 $0.0e+00, v4  }
0x1eb: {  	v46 =	vld [tilespmem:s1+$0xFFFFFFE0];
	v47 =	vmul.f32 v2, v15;
	v17 =	vmul.f32 v16, v38  }
0x1ec: {  	v48 =	vsub.f32 v10, v9;
	v1 =	vmul.f32 v44, v1;
	v3 =	vadd.f32 v4, v3  }
0x1ed: {  	v49 =	vld [tilespmem:s1+$0x20];
	v50 =	vmul.f32 v16, v15;
	v51 =	vmul.f32 v2, v38  }
0x1ee: {  	v52 =	vadd.f32 v17, v47;
	v0 =	vmul.f32 v48, v0;
	v1 =	vadd.f32 v1, v3  }
0x1ef: {  	v53 =	vld [tilespmem:s1+$0xFFFFFFF0];
	v54 =	vmul.f32 v40, v42;
	v55 =	vmul.f32 v43, v45  }
0x1f0: {  	v2 =	vsub.f32 v50, v51;
	v56 =	vmul.f32 v52, v46;
	v0 =	vadd.f32 v1, v0  }
0x1f1: {  	v57 =	vld [tilespmem:s1+$0x30];
	v58 =	vmul.f32 v43, v42;
	v6 =	vmul.f32 v40, v45  }
0x1f2: {  	v60 =	vadd.f32 v55, v54;
	v59 =	vmul.f32 v2, v49;
	v0 =	vadd.f32 v56, v0;
	_ =	sdelay $0x1  }
0x1f3: {  	v62 =	vsub.f32 v58, v6;
	v61 =	vmul.f32 v60, v53;
	v0 =	vadd.f32 v0, v59;
	_ =	sdelay $0x1  }
0x1f4: {  	v63 =	vmul.f32 v62, v57;
	v0 =	vadd.f32 v61, v0  }
0x1f5: {  	s28 =	sand.u32 $0x1E00, s22;
	s0 =	sadd.s32 $0x10, s0  }
0x1f6: {  	s31 =	sadd.s32 $0x1, s31;
	s0 =	sand.u32 $0x70, s0;
	s1 =	sshrl.u32 s28, $0x2;
	v0 =	vadd.f32 v0, v63  }
0x1f7: {  	p0 =	sne.s32 s31, s12;
	s0 =	sor.u32 s0, s1  }
.Ltmp4:
0x1f8: {  	[tilespmem:s0+$0xC600] =	vst v0;
	(pc) =	sbr.rel @p0 .LBB2_1-.Ltmp4, $4  }
0x1f9: {  	[hbm4b:s11+s2] =	stream.linear.scatter [tilespmem:s21], [sflag:$0x2], $0x800, $0x38;
	[tilespmem:$0xCE00] =	vst v63  }
0x1fa: {  	_ =	swait.ge [sflag:s13], $0x800  }
0x1fb: {  	[sflag:s13] =	ssyncset.done $0x0  }
0x1fc: {  	[sflag:s13] =	ssyncadd.s32 $0xFFFFF800  }
0x1fd: {  	_ =	sfence.sel $0x180000  }
0x1fe: {  	[bflag:$0x0] =	sbarrier.arrive $0xFFFF  }
0x1ff: {  	_ =	strace $0x90000047  }
0x200: {  	s0 =	stileid.u32;
	[bflag:$0x2] =	sbarrier.arrive $0xFFFF  }
0x201: {  	p0 =	sne.s32 s0, $0x0;
	s0 =	rddreg [dreg:$0x4]  }
0x202: {  	s0 =	sadd.s32 @!p0 $0x100000, s0  }
0x203: {  	[sflag:s0] =	ssyncadd.tile.s32 @!p0 $0x1;
	_ =	shalt  }
.Lfunc_end2:
_tile_overlayer_lowered:
.L_overlay_start_2:
0x204: {  	(tag) =	ssettag $0x2  }
0x205: {  	s0 =	rddreg [dreg:$0x0];
	s2 =	stileid.u32  }
0x206: {  	s1 =	rddreg [dreg:$0x1];
	p0 =	sne.s32 s2, $0x0  }
0x207: {  	s3 =	rddreg [dreg:$0x2];
	[bflag:$0x3] =	sbarrier.arrive $0xFFFF;
	s2 =	simm.s32 @!p0 $0x1C02  }
0x208: {  	[timem:s3], [sflag:s2] =	dma.local @!p0 [hbm:s0], s1  }
0x209: {  	s0 =	simm.s32 @!p0 $0x2  }
0x20a: {  	_ =	swait.ge @!p0 [sflag:s0], s1  }
0x20b: {  	s1 =	ssub.s32 @!p0 $0x0, s1;
	[sflag:s0] =	ssyncset.done @!p0 $0x0  }
0x20c: {  	[sflag:s0] =	ssyncadd.s32 @!p0 s1  }
0x20d: {  	[bflag:$0x3] =	sbarrier.arrive $0xFFFF  }
0x20e: {  	_ =	shalt  }

</sc_bundles>
